<compile_context>
chip_gen: v7x
topology: tpu7x:2x2x1
jax: 0.10.2.dev20260603
libtpu: 0.0.44.dev20260713+nightly
codegen_flags: <defaults>
</compile_context>

<pallas_src>
import jax
import jax.numpy as jnp
from jax import lax
from jax.experimental import pallas as pl
from jax.experimental.pallas import tpu as pltpu
from jax.experimental.pallas import tpu_sc as plsc

FEAT_H = 16
FEAT_W = 16
HW = FEAT_H * FEAT_W
GAUSS_TH = 0.6
EXPAND = 1.0
SIGMA = 1.6
BIN_OFF = 0.5
RADIUS = 1.0
NEG_LOG_TH = 0.5108255840295616
TWO_SIG2 = 2.0 * SIGMA ** 2
IMGS = 2
N_PER_IMG = 512
G_PER_IMG = 64

_RPT = 64


def _take(v, idx):
    return lax.gather(
        v, idx[:, None],
        lax.GatherDimensionNumbers(offset_dims=(), collapsed_slice_dims=(0,),
                                   start_index_map=(0,)),
        (1,), mode=lax.GatherScatterMode.PROMISE_IN_BOUNDS)


def _gather_sc(gid_h, kx_h, ky_h, kv_h,
               kxg_h, kyg_h, kvg_h,
               gid_v, kx_v, ky_v, kv_v, kxg_v, kyg_v, kvg_v):
    wid = lax.axis_index("s") * 2 + lax.axis_index("c")
    base = wid * _RPT
    img = wid // (N_PER_IMG // _RPT)
    pltpu.sync_copy(gid_h.at[pl.ds(base, _RPT)], gid_v)
    pltpu.sync_copy(kx_h.at[pl.ds(img * G_PER_IMG, G_PER_IMG)], kx_v)
    pltpu.sync_copy(ky_h.at[pl.ds(img * G_PER_IMG, G_PER_IMG)], ky_v)
    pltpu.sync_copy(kv_h.at[pl.ds(img * G_PER_IMG, G_PER_IMG)], kv_v)

    zero16 = jnp.zeros((16,), jnp.float32)
    kxc = [kx_v[pl.ds(c * 16, 16)] for c in range(4)]
    kyc = [ky_v[pl.ds(c * 16, 16)] for c in range(4)]
    kvc = [kv_v[pl.ds(c * 16, 16)] for c in range(4)]

    def tab_gather(chunks, lo, hi):
        acc = zero16
        for c in range(4):
            acc = jnp.where(hi == c, _take(chunks[c], lo), acc)
        return acc

    for g in range(_RPT // 16):
        sl = pl.ds(g * 16, 16)
        gid16 = gid_v[sl]
        lo = gid16 & 15
        hi = lax.shift_right_logical(gid16, 4)
        kxg_v[sl] = tab_gather(kxc, lo, hi)
        kyg_v[sl] = tab_gather(kyc, lo, hi)
        kvg_v[sl] = tab_gather(kvc, lo, hi)

    pltpu.sync_copy(kxg_v, kxg_h.at[pl.ds(base, _RPT)])
    pltpu.sync_copy(kyg_v, kyg_h.at[pl.ds(base, _RPT)])
    pltpu.sync_copy(kvg_v, kvg_h.at[pl.ds(base, _RPT)])


def _label_kernel(boxes_ref, kx_ref, ky_ref, kv_ref, flag_ref,
                  cls_ref, clsw_ref, reg_ref, regw_ref):
    rows = IMGS * N_PER_IMG
    boxes = boxes_ref[...].reshape(rows, 4)
    flag = flag_ref[...].reshape(rows, 1)
    kx = kx_ref[...].reshape(rows, 1)
    ky = ky_ref[...].reshape(rows, 1)
    kv = kv_ref[...].reshape(rows, 1)

    x1 = boxes[:, 0:1]
    y1 = boxes[:, 1:2]
    x2 = boxes[:, 2:3]
    y2 = boxes[:, 3:4]
    cx = (x1 + x2) * 0.5
    cy = (y1 + y2) * 0.5
    w = (x2 - x1 + 1.0) * EXPAND
    h = (y2 - y1 + 1.0) * EXPAND
    bx1 = cx - (w - 1.0) * 0.5
    by1 = cy - (h - 1.0) * 0.5
    bx2 = cx + (w - 1.0) * 0.5
    by2 = cy + (h - 1.0) * 0.5

    sx = FEAT_W / (bx2 - bx1 + 1.0)
    sy = FEAT_H / (by2 - by1 + 1.0)
    x0 = (kx - bx1) * sx
    y0 = (ky - by1) * sy

    col = lax.broadcasted_iota(jnp.int32, (rows, HW), 1)
    bin_x = (col % FEAT_W).astype(jnp.float32)
    bin_y = (col // FEAT_W).astype(jnp.float32)

    dx = bin_x + BIN_OFF - x0
    dy = bin_y + BIN_OFF - y0
    inv2s2 = 1.0 / TWO_SIG2
    arg = dx * dx * inv2s2 + dy * dy * inv2s2
    score = jnp.exp(-arg)
    keep = arg <= NEG_LOG_TH

    vis = kv != 0.0
    pos = flag > 0
    active = pos & vis & jnp.any(keep, axis=-1, keepdims=True)

    cls_ref[...] = jnp.where(active, score, -1.0).reshape(IMGS, N_PER_IMG, HW)
    clsw_ref[...] = (jnp.where(active, 1.0, 0.0) * jnp.ones_like(score)
                     ).reshape(IMGS, N_PER_IMG, HW)

    m = pos & vis & keep
    off_x = (x0 - bin_x) / RADIUS
    off_y = (y0 - bin_y) / RADIUS
    zeros = jnp.zeros_like(score)
    reg = jnp.concatenate([jnp.where(m, off_x, zeros),
                           jnp.where(m, off_y, zeros)], axis=1)
    reg_ref[...] = reg.reshape(IMGS, N_PER_IMG, 2 * HW)
    rw = jnp.where(m, 1.0, 0.0)
    regw_ref[...] = jnp.concatenate([rw, rw], axis=1
                                    ).reshape(IMGS, N_PER_IMG, 2 * HW)


def kernel(boxes, gt_boxes, match_pos_flag, match_gt_id):
    B, N = boxes.shape[:2]
    KPS = 1
    BN = B * N

    flag = match_pos_flag.astype(jnp.int32).reshape(B, N, 1)
    gid1 = match_gt_id.astype(jnp.int32).reshape(BN)
    gt_f = gt_boxes.reshape(B * G_PER_IMG, 8)

    mesh = plsc.VectorSubcoreMesh(core_axis_name="c", subcore_axis_name="s",
                                  num_cores=2)
    kxg, kyg, kvg = pl.kernel(
        _gather_sc,
        out_type=(
            jax.ShapeDtypeStruct((BN,), jnp.float32),
            jax.ShapeDtypeStruct((BN,), jnp.float32),
            jax.ShapeDtypeStruct((BN,), jnp.float32),
        ),
        mesh=mesh,
        scratch_types=[
            pltpu.VMEM((_RPT,), jnp.int32),
            pltpu.VMEM((G_PER_IMG,), jnp.float32),
            pltpu.VMEM((G_PER_IMG,), jnp.float32),
            pltpu.VMEM((G_PER_IMG,), jnp.float32),
            pltpu.VMEM((_RPT,), jnp.float32),
            pltpu.VMEM((_RPT,), jnp.float32),
            pltpu.VMEM((_RPT,), jnp.float32),
        ],
    )(gid1, gt_f[:, 4], gt_f[:, 5], gt_f[:, 6])

    grid = (B // IMGS,)
    out_shapes = (
        jax.ShapeDtypeStruct((B, N, HW), jnp.float32),
        jax.ShapeDtypeStruct((B, N, HW), jnp.float32),
        jax.ShapeDtypeStruct((B, N, 2 * HW), jnp.float32),
        jax.ShapeDtypeStruct((B, N, 2 * HW), jnp.float32),
    )
    in_specs = [
        pl.BlockSpec((IMGS, N, 4), lambda i: (i, 0, 0)),
        pl.BlockSpec((IMGS, N, 1), lambda i: (i, 0, 0)),
        pl.BlockSpec((IMGS, N, 1), lambda i: (i, 0, 0)),
        pl.BlockSpec((IMGS, N, 1), lambda i: (i, 0, 0)),
        pl.BlockSpec((IMGS, N, 1), lambda i: (i, 0, 0)),
    ]
    out_specs = (
        pl.BlockSpec((IMGS, N, HW), lambda i: (i, 0, 0)),
        pl.BlockSpec((IMGS, N, HW), lambda i: (i, 0, 0)),
        pl.BlockSpec((IMGS, N, 2 * HW), lambda i: (i, 0, 0)),
        pl.BlockSpec((IMGS, N, 2 * HW), lambda i: (i, 0, 0)),
    )
    cls, clsw, reg, regw = pl.pallas_call(
        _label_kernel,
        grid=grid,
        in_specs=in_specs,
        out_specs=out_specs,
        out_shape=out_shapes,
    )(boxes, kxg.reshape(B, N, 1), kyg.reshape(B, N, 1),
      kvg.reshape(B, N, 1), flag)

    return (cls.reshape(B, N, KPS, FEAT_H, FEAT_W),
            clsw.reshape(B, N, KPS, FEAT_H, FEAT_W),
            reg.reshape(B, N, 2 * KPS, FEAT_H, FEAT_W),
            regw.reshape(B, N, 2 * KPS, FEAT_H, FEAT_W))

# --- scband reference (transcript-rebuilt; emitter-appended) ---
"""Pipeline reference for scband-rcnn3-dlabel-from-match-15719580304264 (READ-ONLY COPY).

The authoritative reference and input builder live on the scoring server;
editing this copy changes nothing except your own understanding.
"""

import jax, jax.numpy as jnp
import numpy as np

FEAT_H = 16
FEAT_W = 16
KPS_NUM = 1
GAUSS_TH = 0.6
EXPAND = 1.0
SIGMA = 1.6
BIN_OFF = 0.5
RADIUS = 1.0


def _grid():
    bx = jnp.arange(0, FEAT_H)
    by = jnp.arange(0, FEAT_W)
    BY, BX = jnp.meshgrid(by, bx, indexing='ij')  # matches torch.meshgrid(bin_y, bin_x)
    return BX.reshape(-1).astype(jnp.float32), BY.reshape(-1).astype(jnp.float32)


def zoom_boxes(boxes, sx, sy):
    cx = (boxes[..., 0] + boxes[..., 2]) * 0.5
    cy = (boxes[..., 1] + boxes[..., 3]) * 0.5
    w = (boxes[..., 2] - boxes[..., 0] + 1.0) * sx
    h = (boxes[..., 3] - boxes[..., 1] + 1.0) * sy
    return jnp.stack([cx - (w - 1.0) * 0.5, cy - (h - 1.0) * 0.5,
                      cx + (w - 1.0) * 0.5, cy + (h - 1.0) * 0.5], axis=-1)


def setup_inputs(seed: int = 0) -> dict:
    key = jax.random.key(seed)
    k1, k2, k3, k4 = jax.random.split(key, 4)
    boxes = jax.random.uniform(k1, (4, 512, 4), dtype=jnp.float32)
    gt_boxes = jax.random.uniform(k2, (4, 64, 8), dtype=jnp.float32)
    match_pos_flag = jax.random.randint(k3, (4, 512), 0, 2).astype(jnp.int64)
    match_gt_id = jax.random.randint(k4, (4, 512), 0, 64).astype(jnp.int64)
    return {"boxes": boxes, "gt_boxes": gt_boxes,
            "match_pos_flag": match_pos_flag, "match_gt_id": match_gt_id}


def reference(boxes, gt_boxes, match_pos_flag, match_gt_id):
    B, N = boxes.shape[:2]
    bin_x, bin_y = _grid()  # (feat_h*feat_w,)
    # take_row: gather matched gt boxes per proposal
    matched = jnp.take_along_axis(gt_boxes, match_gt_id[:, :, None], axis=1)  # (B,N,D)
    box = zoom_boxes(boxes, EXPAND, EXPAND)  # (B,N,4)
    kp = matched[:, :, 4:4 + 3 * KPS_NUM]  # (B,N,3), kps_num=1
    sx = FEAT_W / (box[..., 2] - box[..., 0] + 1.0)
    sy = FEAT_H / (box[..., 3] - box[..., 1] + 1.0)
    x0 = (kp[..., 0] - box[..., 0]) * sx  # (B,N)
    y0 = (kp[..., 1] - box[..., 1]) * sy
    vis = kp[..., 2] != 0.0  # filter_kps with ignore label 0
    pos = match_pos_flag > 0
    # get_score_map (gaussian over flattened RoI grid)
    dx = bin_x[None, None, :] + BIN_OFF - x0[..., None]
    dy = bin_y[None, None, :] + BIN_OFF - y0[..., None]
    score = jnp.exp(-(dx ** 2 / (2.0 * SIGMA ** 2) + dy ** 2 / (2.0 * SIGMA ** 2)))  # (B,N,HW)
    keep_pos = score >= GAUSS_TH
    active = pos & vis & jnp.any(keep_pos, axis=-1)  # (B,N)
    a3 = active[..., None]
    cls_label = jnp.where(a3, score, -1.0)
    cls_weight = jnp.where(a3, jnp.ones_like(score), jnp.zeros_like(score))
    off_x = (x0[..., None] - bin_x[None, None, :]) / RADIUS
    off_y = (y0[..., None] - bin_y[None, None, :]) / RADIUS
    m = a3 & keep_pos
    reg_x = jnp.where(m, off_x, 0.0)
    reg_y = jnp.where(m, off_y, 0.0)
    reg_w = jnp.where(m, jnp.ones_like(score), jnp.zeros_like(score))
    kps_cls_label = cls_label.reshape(B, N, KPS_NUM, FEAT_H, FEAT_W)
    kps_cls_label_weight = cls_weight.reshape(B, N, KPS_NUM, FEAT_H, FEAT_W)
    kps_reg_label = jnp.stack([reg_x, reg_y], axis=2).reshape(B, N, 2 * KPS_NUM, FEAT_H, FEAT_W)
    kps_reg_label_weight = jnp.stack([reg_w, reg_w], axis=2).reshape(B, N, 2 * KPS_NUM, FEAT_H, FEAT_W)
    return (kps_cls_label, kps_cls_label_weight, kps_reg_label, kps_reg_label_weight)

if __name__ == "__main__":
    import jax
    _d = setup_inputs()
    print(jax.jit(kernel)(*tuple(_d.values())))

</pallas_src>

<mosaic_0001>
#map = affine_map<(d0, d1) -> (0)>
module attributes {stable_mosaic.version = 14 : i64} {
  func.func @_gather_sc(%arg0: i32, %arg1: i32, %arg2: memref<2048xi32, #tpu.memory_space<hbm>>, %arg3: memref<256xf32, #tpu.memory_space<hbm>>, %arg4: memref<256xf32, #tpu.memory_space<hbm>>, %arg5: memref<256xf32, #tpu.memory_space<hbm>>, %arg6: memref<2048xf32, #tpu.memory_space<hbm>>, %arg7: memref<2048xf32, #tpu.memory_space<hbm>>, %arg8: memref<2048xf32, #tpu.memory_space<hbm>>, %arg9: memref<64xi32, #tpu.memory_space<vmem>>, %arg10: memref<64xf32, #tpu.memory_space<vmem>>, %arg11: memref<64xf32, #tpu.memory_space<vmem>>, %arg12: memref<64xf32, #tpu.memory_space<vmem>>, %arg13: memref<64xf32, #tpu.memory_space<vmem>>, %arg14: memref<64xf32, #tpu.memory_space<vmem>>, %arg15: memref<64xf32, #tpu.memory_space<vmem>>) attributes {dimension_semantics = [#tpu.dimension_semantics<core_parallel>, #tpu.dimension_semantics<subcore_parallel>], iteration_bounds = array<i64: 2, 16>, scalar_prefetch = 0 : i64, scratch_operands = 7 : i64, tpu.core_type = #tpu.core_type<sc_vector_subcore>, window_params = [{transform_indices = #map}, {transform_indices = #map}, {transform_indices = #map}, {transform_indices = #map}, {transform_indices = #map}, {transform_indices = #map}, {transform_indices = #map}]} {
    %mul3A = arith.constant 2 : i32
    %mul3A_0 = arith.muli %arg1, %mul3A : i32
    %add3A = arith.addi %mul3A_0, %arg0 : i32
    %mul3A_1 = arith.constant 64 : i32
    %mul3A_2 = arith.muli %add3A, %mul3A_1 : i32
    %jit3A = arith.constant 8 : i32
    %div3A = arith.divsi %add3A, %jit3A : i32
    %sign3A = arith.constant 0 : i32
    %sign3A_3 = arith.cmpi sgt, %add3A, %sign3A : i32
    %sign3A_4 = arith.extui %sign3A_3 : i1 to i32
    %sign3A_5 = arith.constant 0 : i32
    %sign3A_6 = arith.cmpi slt, %add3A, %sign3A_5 : i32
    %sign3A_7 = arith.extui %sign3A_6 : i1 to i32
    %sign3A_8 = arith.subi %sign3A_4, %sign3A_7 : i32
    %sign3A_9 = arith.constant 0 : i32
    %sign3A_10 = arith.cmpi sgt, %jit3A, %sign3A_9 : i32
    %sign3A_11 = arith.extui %sign3A_10 : i1 to i32
    %sign3A_12 = arith.constant 0 : i32
    %sign3A_13 = arith.cmpi slt, %jit3A, %sign3A_12 : i32
    %sign3A_14 = arith.extui %sign3A_13 : i1 to i32
    %sign3A_15 = arith.subi %sign3A_11, %sign3A_14 : i32
    %ne3A = arith.cmpi ne, %sign3A_8, %sign3A_15 : i32
    %rem3A = arith.remsi %add3A, %jit3A : i32
    %ne3A_16 = arith.constant 0 : i32
    %ne3A_17 = arith.cmpi ne, %rem3A, %ne3A_16 : i32
    %and3A = arith.andi %ne3A, %ne3A_17 : i1
    %sub3A = arith.constant 1 : i32
    %sub3A_18 = arith.subi %div3A, %sub3A : i32
    %select_n3A = arith.select %and3A, %sub3A_18, %div3A : i32
    "tpu.region"() ({
      %run_scoped3A = tpu.sem_alloc : memref<!tpu.dma_semaphore, #tpu.memory_space<semaphore_mem>>
      %dma_start3A = tpu.memref_slice %arg2[%mul3A_2] : memref<2048xi32, #tpu.memory_space<hbm>> -> memref<64xi32, #tpu.memory_space<hbm>>
      %dma_start3A_477 = tpu.memref_slice %arg2[%mul3A_2] : memref<2048xi32, #tpu.memory_space<hbm>> -> memref<64xi32, #tpu.memory_space<hbm>>
      tpu.enqueue_dma source(%dma_start3A_477 : memref<64xi32, #tpu.memory_space<hbm>>) target(%arg9 : memref<64xi32, #tpu.memory_space<vmem>>) target_semaphore(%run_scoped3A : memref<!tpu.dma_semaphore, #tpu.memory_space<semaphore_mem>>)
      %dma_wait3A = tpu.memref_slice %arg2[%mul3A_2] : memref<2048xi32, #tpu.memory_space<hbm>> -> memref<64xi32, #tpu.memory_space<hbm>>
      %dma_wait3A_478 = tpu.memref_slice %arg2[%mul3A_2] : memref<2048xi32, #tpu.memory_space<hbm>> -> memref<64xi32, #tpu.memory_space<hbm>>
      tpu.wait_dma2 semaphore(%run_scoped3A : memref<!tpu.dma_semaphore, #tpu.memory_space<semaphore_mem>>) src(%dma_wait3A_478 : memref<64xi32, #tpu.memory_space<hbm>>) dst(%arg9 : memref<64xi32, #tpu.memory_space<vmem>>)
      tpu.yield
    }) : () -> ()
    %mul3A_19 = arith.constant 64 : i32
    %mul3A_20 = arith.muli %select_n3A, %mul3A_19 : i32
    "tpu.region"() ({
      %run_scoped3A = tpu.sem_alloc : memref<!tpu.dma_semaphore, #tpu.memory_space<semaphore_mem>>
      %dma_start3A = tpu.memref_slice %arg3[%mul3A_20] : memref<256xf32, #tpu.memory_space<hbm>> -> memref<64xf32, #tpu.memory_space<hbm>>
      %dma_start3A_477 = tpu.memref_slice %arg3[%mul3A_20] : memref<256xf32, #tpu.memory_space<hbm>> -> memref<64xf32, #tpu.memory_space<hbm>>
      tpu.enqueue_dma source(%dma_start3A_477 : memref<64xf32, #tpu.memory_space<hbm>>) target(%arg10 : memref<64xf32, #tpu.memory_space<vmem>>) target_semaphore(%run_scoped3A : memref<!tpu.dma_semaphore, #tpu.memory_space<semaphore_mem>>)
      %dma_wait3A = tpu.memref_slice %arg3[%mul3A_20] : memref<256xf32, #tpu.memory_space<hbm>> -> memref<64xf32, #tpu.memory_space<hbm>>
      %dma_wait3A_478 = tpu.memref_slice %arg3[%mul3A_20] : memref<256xf32, #tpu.memory_space<hbm>> -> memref<64xf32, #tpu.memory_space<hbm>>
      tpu.wait_dma2 semaphore(%run_scoped3A : memref<!tpu.dma_semaphore, #tpu.memory_space<semaphore_mem>>) src(%dma_wait3A_478 : memref<64xf32, #tpu.memory_space<hbm>>) dst(%arg10 : memref<64xf32, #tpu.memory_space<vmem>>)
      tpu.yield
    }) : () -> ()
    %mul3A_21 = arith.constant 64 : i32
    %mul3A_22 = arith.muli %select_n3A, %mul3A_21 : i32
    "tpu.region"() ({
      %run_scoped3A = tpu.sem_alloc : memref<!tpu.dma_semaphore, #tpu.memory_space<semaphore_mem>>
      %dma_start3A = tpu.memref_slice %arg4[%mul3A_22] : memref<256xf32, #tpu.memory_space<hbm>> -> memref<64xf32, #tpu.memory_space<hbm>>
      %dma_start3A_477 = tpu.memref_slice %arg4[%mul3A_22] : memref<256xf32, #tpu.memory_space<hbm>> -> memref<64xf32, #tpu.memory_space<hbm>>
      tpu.enqueue_dma source(%dma_start3A_477 : memref<64xf32, #tpu.memory_space<hbm>>) target(%arg11 : memref<64xf32, #tpu.memory_space<vmem>>) target_semaphore(%run_scoped3A : memref<!tpu.dma_semaphore, #tpu.memory_space<semaphore_mem>>)
      %dma_wait3A = tpu.memref_slice %arg4[%mul3A_22] : memref<256xf32, #tpu.memory_space<hbm>> -> memref<64xf32, #tpu.memory_space<hbm>>
      %dma_wait3A_478 = tpu.memref_slice %arg4[%mul3A_22] : memref<256xf32, #tpu.memory_space<hbm>> -> memref<64xf32, #tpu.memory_space<hbm>>
      tpu.wait_dma2 semaphore(%run_scoped3A : memref<!tpu.dma_semaphore, #tpu.memory_space<semaphore_mem>>) src(%dma_wait3A_478 : memref<64xf32, #tpu.memory_space<hbm>>) dst(%arg11 : memref<64xf32, #tpu.memory_space<vmem>>)
      tpu.yield
    }) : () -> ()
    %mul3A_23 = arith.constant 64 : i32
    %mul3A_24 = arith.muli %select_n3A, %mul3A_23 : i32
    "tpu.region"() ({
      %run_scoped3A = tpu.sem_alloc : memref<!tpu.dma_semaphore, #tpu.memory_space<semaphore_mem>>
      %dma_start3A = tpu.memref_slice %arg5[%mul3A_24] : memref<256xf32, #tpu.memory_space<hbm>> -> memref<64xf32, #tpu.memory_space<hbm>>
      %dma_start3A_477 = tpu.memref_slice %arg5[%mul3A_24] : memref<256xf32, #tpu.memory_space<hbm>> -> memref<64xf32, #tpu.memory_space<hbm>>
      tpu.enqueue_dma source(%dma_start3A_477 : memref<64xf32, #tpu.memory_space<hbm>>) target(%arg12 : memref<64xf32, #tpu.memory_space<vmem>>) target_semaphore(%run_scoped3A : memref<!tpu.dma_semaphore, #tpu.memory_space<semaphore_mem>>)
      %dma_wait3A = tpu.memref_slice %arg5[%mul3A_24] : memref<256xf32, #tpu.memory_space<hbm>> -> memref<64xf32, #tpu.memory_space<hbm>>
      %dma_wait3A_478 = tpu.memref_slice %arg5[%mul3A_24] : memref<256xf32, #tpu.memory_space<hbm>> -> memref<64xf32, #tpu.memory_space<hbm>>
      tpu.wait_dma2 semaphore(%run_scoped3A : memref<!tpu.dma_semaphore, #tpu.memory_space<semaphore_mem>>) src(%dma_wait3A_478 : memref<64xf32, #tpu.memory_space<hbm>>) dst(%arg12 : memref<64xf32, #tpu.memory_space<vmem>>)
      tpu.yield
    }) : () -> ()
    %broadcast_in_dim3A = arith.constant 0.000000e+00 : f32
    %broadcast_in_dim3A_25 = vector.broadcast %broadcast_in_dim3A : f32 to vector<16xf32>
    %get3A = arith.constant 0 : index
    %get3A_26 = tpu.vector_load %arg10[%get3A] {strides = array<i32>} : memref<64xf32, #tpu.memory_space<vmem>>, vector<16xf32>,
    %get3A_27 = vector.shape_cast %get3A_26 : vector<16xf32> to vector<16xf32>
    %get3A_28 = arith.constant 16 : index
    %get3A_29 = tpu.vector_load %arg10[%get3A_28] {strides = array<i32>} : memref<64xf32, #tpu.memory_space<vmem>>, vector<16xf32>,
    %get3A_30 = vector.shape_cast %get3A_29 : vector<16xf32> to vector<16xf32>
    %get3A_31 = arith.constant 32 : index
    %get3A_32 = tpu.vector_load %arg10[%get3A_31] {strides = array<i32>} : memref<64xf32, #tpu.memory_space<vmem>>, vector<16xf32>,
    %get3A_33 = vector.shape_cast %get3A_32 : vector<16xf32> to vector<16xf32>
    %get3A_34 = arith.constant 48 : index
    %get3A_35 = tpu.vector_load %arg10[%get3A_34] {strides = array<i32>} : memref<64xf32, #tpu.memory_space<vmem>>, vector<16xf32>,
    %get3A_36 = vector.shape_cast %get3A_35 : vector<16xf32> to vector<16xf32>
    %get3A_37 = arith.constant 0 : index
    %get3A_38 = tpu.vector_load %arg11[%get3A_37] {strides = array<i32>} : memref<64xf32, #tpu.memory_space<vmem>>, vector<16xf32>,
    %get3A_39 = vector.shape_cast %get3A_38 : vector<16xf32> to vector<16xf32>
    %get3A_40 = arith.constant 16 : index
    %get3A_41 = tpu.vector_load %arg11[%get3A_40] {strides = array<i32>} : memref<64xf32, #tpu.memory_space<vmem>>, vector<16xf32>,
    %get3A_42 = vector.shape_cast %get3A_41 : vector<16xf32> to vector<16xf32>
    %get3A_43 = arith.constant 32 : index
    %get3A_44 = tpu.vector_load %arg11[%get3A_43] {strides = array<i32>} : memref<64xf32, #tpu.memory_space<vmem>>, vector<16xf32>,
    %get3A_45 = vector.shape_cast %get3A_44 : vector<16xf32> to vector<16xf32>
    %get3A_46 = arith.constant 48 : index
    %get3A_47 = tpu.vector_load %arg11[%get3A_46] {strides = array<i32>} : memref<64xf32, #tpu.memory_space<vmem>>, vector<16xf32>,
    %get3A_48 = vector.shape_cast %get3A_47 : vector<16xf32> to vector<16xf32>
    %get3A_49 = arith.constant 0 : index
    %get3A_50 = tpu.vector_load %arg12[%get3A_49] {strides = array<i32>} : memref<64xf32, #tpu.memory_space<vmem>>, vector<16xf32>,
    %get3A_51 = vector.shape_cast %get3A_50 : vector<16xf32> to vector<16xf32>
    %get3A_52 = arith.constant 16 : index
    %get3A_53 = tpu.vector_load %arg12[%get3A_52] {strides = array<i32>} : memref<64xf32, #tpu.memory_space<vmem>>, vector<16xf32>,
    %get3A_54 = vector.shape_cast %get3A_53 : vector<16xf32> to vector<16xf32>
    %get3A_55 = arith.constant 32 : index
    %get3A_56 = tpu.vector_load %arg12[%get3A_55] {strides = array<i32>} : memref<64xf32, #tpu.memory_space<vmem>>, vector<16xf32>,
    %get3A_57 = vector.shape_cast %get3A_56 : vector<16xf32> to vector<16xf32>
    %get3A_58 = arith.constant 48 : index
    %get3A_59 = tpu.vector_load %arg12[%get3A_58] {strides = array<i32>} : memref<64xf32, #tpu.memory_space<vmem>>, vector<16xf32>,
    %get3A_60 = vector.shape_cast %get3A_59 : vector<16xf32> to vector<16xf32>
    %get3A_61 = arith.constant 0 : index
    %get3A_62 = tpu.vector_load %arg9[%get3A_61] {strides = array<i32>} : memref<64xi32, #tpu.memory_space<vmem>>, vector<16xi32>,
    %get3A_63 = vector.shape_cast %get3A_62 : vector<16xi32> to vector<16xi32>
    %and3A_64 = arith.constant 15 : i32
    %and3A_65 = vector.broadcast %and3A_64 : i32 to vector<16xi32>
    %and3A_66 = arith.andi %get3A_63, %and3A_65 : vector<16xi32>
    %shift_right_logical3A = arith.constant 4 : i32
    %shift_right_logical3A_67 = vector.broadcast %shift_right_logical3A : i32 to vector<16xi32>
    %shift_right_logical3A_68 = arith.shrui %get3A_63, %shift_right_logical3A_67 : vector<16xi32>
    %eq3A = arith.constant 0 : i32
    %eq3A_69 = vector.broadcast %eq3A : i32 to vector<16xi32>
    %eq3A_70 = arith.cmpi eq, %shift_right_logical3A_68, %eq3A_69 : vector<16xi32>
    %broadcast_in_dim3A_71 = vector.shape_cast %and3A_66 : vector<16xi32> to vector<16x1xi32>
    %gather3A = vector.shape_cast %broadcast_in_dim3A_71 : vector<16x1xi32> to vector<16xi32>
    %gather3A_72 = tpu.dynamic_gather %get3A_27[%gather3A] in [0] : vector<16xf32>, vector<16xi32> -> vector<16xf32>
    %select_n3A_73 = arith.select %eq3A_70, %gather3A_72, %broadcast_in_dim3A_25 : vector<16xi1>, vector<16xf32>
    %eq3A_74 = arith.constant 1 : i32
    %eq3A_75 = vector.broadcast %eq3A_74 : i32 to vector<16xi32>
    %eq3A_76 = arith.cmpi eq, %shift_right_logical3A_68, %eq3A_75 : vector<16xi32>
    %broadcast_in_dim3A_77 = vector.shape_cast %and3A_66 : vector<16xi32> to vector<16x1xi32>
    %gather3A_78 = vector.shape_cast %broadcast_in_dim3A_77 : vector<16x1xi32> to vector<16xi32>
    %gather3A_79 = tpu.dynamic_gather %get3A_30[%gather3A_78] in [0] : vector<16xf32>, vector<16xi32> -> vector<16xf32>
    %select_n3A_80 = arith.select %eq3A_76, %gather3A_79, %select_n3A_73 : vector<16xi1>, vector<16xf32>
    %eq3A_81 = arith.constant 2 : i32
    %eq3A_82 = vector.broadcast %eq3A_81 : i32 to vector<16xi32>
    %eq3A_83 = arith.cmpi eq, %shift_right_logical3A_68, %eq3A_82 : vector<16xi32>
    %broadcast_in_dim3A_84 = vector.shape_cast %and3A_66 : vector<16xi32> to vector<16x1xi32>
    %gather3A_85 = vector.shape_cast %broadcast_in_dim3A_84 : vector<16x1xi32> to vector<16xi32>
    %gather3A_86 = tpu.dynamic_gather %get3A_33[%gather3A_85] in [0] : vector<16xf32>, vector<16xi32> -> vector<16xf32>
    %select_n3A_87 = arith.select %eq3A_83, %gather3A_86, %select_n3A_80 : vector<16xi1>, vector<16xf32>
    %eq3A_88 = arith.constant 3 : i32
    %eq3A_89 = vector.broadcast %eq3A_88 : i32 to vector<16xi32>
    %eq3A_90 = arith.cmpi eq, %shift_right_logical3A_68, %eq3A_89 : vector<16xi32>
    %broadcast_in_dim3A_91 = vector.shape_cast %and3A_66 : vector<16xi32> to vector<16x1xi32>
    %gather3A_92 = vector.shape_cast %broadcast_in_dim3A_91 : vector<16x1xi32> to vector<16xi32>
    %gather3A_93 = tpu.dynamic_gather %get3A_36[%gather3A_92] in [0] : vector<16xf32>, vector<16xi32> -> vector<16xf32>
    %select_n3A_94 = arith.select %eq3A_90, %gather3A_93, %select_n3A_87 : vector<16xi1>, vector<16xf32>
    %swap3A = arith.constant 0 : index
    %swap3A_95 = tpu.vector_load %arg13[%swap3A] {strides = array<i32>} : memref<64xf32, #tpu.memory_space<vmem>>, vector<16xf32>,
    %swap3A_96 = vector.shape_cast %swap3A_95 : vector<16xf32> to vector<16xf32>
    %swap3A_97 = vector.shape_cast %select_n3A_94 : vector<16xf32> to vector<16xf32>
    tpu.vector_store %arg13[%swap3A], %swap3A_97 {strides = array<i32>} : memref<64xf32, #tpu.memory_space<vmem>>, vector<16xf32>,
    %eq3A_98 = arith.constant 0 : i32
    %eq3A_99 = vector.broadcast %eq3A_98 : i32 to vector<16xi32>
    %eq3A_100 = arith.cmpi eq, %shift_right_logical3A_68, %eq3A_99 : vector<16xi32>
    %broadcast_in_dim3A_101 = vector.shape_cast %and3A_66 : vector<16xi32> to vector<16x1xi32>
    %gather3A_102 = vector.shape_cast %broadcast_in_dim3A_101 : vector<16x1xi32> to vector<16xi32>
    %gather3A_103 = tpu.dynamic_gather %get3A_39[%gather3A_102] in [0] : vector<16xf32>, vector<16xi32> -> vector<16xf32>
    %select_n3A_104 = arith.select %eq3A_100, %gather3A_103, %broadcast_in_dim3A_25 : vector<16xi1>, vector<16xf32>
    %eq3A_105 = arith.constant 1 : i32
    %eq3A_106 = vector.broadcast %eq3A_105 : i32 to vector<16xi32>
    %eq3A_107 = arith.cmpi eq, %shift_right_logical3A_68, %eq3A_106 : vector<16xi32>
    %broadcast_in_dim3A_108 = vector.shape_cast %and3A_66 : vector<16xi32> to vector<16x1xi32>
    %gather3A_109 = vector.shape_cast %broadcast_in_dim3A_108 : vector<16x1xi32> to vector<16xi32>
    %gather3A_110 = tpu.dynamic_gather %get3A_42[%gather3A_109] in [0] : vector<16xf32>, vector<16xi32> -> vector<16xf32>
    %select_n3A_111 = arith.select %eq3A_107, %gather3A_110, %select_n3A_104 : vector<16xi1>, vector<16xf32>
    %eq3A_112 = arith.constant 2 : i32
    %eq3A_113 = vector.broadcast %eq3A_112 : i32 to vector<16xi32>
    %eq3A_114 = arith.cmpi eq, %shift_right_logical3A_68, %eq3A_113 : vector<16xi32>
    %broadcast_in_dim3A_115 = vector.shape_cast %and3A_66 : vector<16xi32> to vector<16x1xi32>
    %gather3A_116 = vector.shape_cast %broadcast_in_dim3A_115 : vector<16x1xi32> to vector<16xi32>
    %gather3A_117 = tpu.dynamic_gather %get3A_45[%gather3A_116] in [0] : vector<16xf32>, vector<16xi32> -> vector<16xf32>
    %select_n3A_118 = arith.select %eq3A_114, %gather3A_117, %select_n3A_111 : vector<16xi1>, vector<16xf32>
    %eq3A_119 = arith.constant 3 : i32
    %eq3A_120 = vector.broadcast %eq3A_119 : i32 to vector<16xi32>
    %eq3A_121 = arith.cmpi eq, %shift_right_logical3A_68, %eq3A_120 : vector<16xi32>
    %broadcast_in_dim3A_122 = vector.shape_cast %and3A_66 : vector<16xi32> to vector<16x1xi32>
    %gather3A_123 = vector.shape_cast %broadcast_in_dim3A_122 : vector<16x1xi32> to vector<16xi32>
    %gather3A_124 = tpu.dynamic_gather %get3A_48[%gather3A_123] in [0] : vector<16xf32>, vector<16xi32> -> vector<16xf32>
    %select_n3A_125 = arith.select %eq3A_121, %gather3A_124, %select_n3A_118 : vector<16xi1>, vector<16xf32>
    %swap3A_126 = arith.constant 0 : index
    %swap3A_127 = tpu.vector_load %arg14[%swap3A_126] {strides = array<i32>} : memref<64xf32, #tpu.memory_space<vmem>>, vector<16xf32>,
    %swap3A_128 = vector.shape_cast %swap3A_127 : vector<16xf32> to vector<16xf32>
    %swap3A_129 = vector.shape_cast %select_n3A_125 : vector<16xf32> to vector<16xf32>
    tpu.vector_store %arg14[%swap3A_126], %swap3A_129 {strides = array<i32>} : memref<64xf32, #tpu.memory_space<vmem>>, vector<16xf32>,
    %eq3A_130 = arith.constant 0 : i32
    %eq3A_131 = vector.broadcast %eq3A_130 : i32 to vector<16xi32>
    %eq3A_132 = arith.cmpi eq, %shift_right_logical3A_68, %eq3A_131 : vector<16xi32>
    %broadcast_in_dim3A_133 = vector.shape_cast %and3A_66 : vector<16xi32> to vector<16x1xi32>
    %gather3A_134 = vector.shape_cast %broadcast_in_dim3A_133 : vector<16x1xi32> to vector<16xi32>
    %gather3A_135 = tpu.dynamic_gather %get3A_51[%gather3A_134] in [0] : vector<16xf32>, vector<16xi32> -> vector<16xf32>
    %select_n3A_136 = arith.select %eq3A_132, %gather3A_135, %broadcast_in_dim3A_25 : vector<16xi1>, vector<16xf32>
    %eq3A_137 = arith.constant 1 : i32
    %eq3A_138 = vector.broadcast %eq3A_137 : i32 to vector<16xi32>
    %eq3A_139 = arith.cmpi eq, %shift_right_logical3A_68, %eq3A_138 : vector<16xi32>
    %broadcast_in_dim3A_140 = vector.shape_cast %and3A_66 : vector<16xi32> to vector<16x1xi32>
    %gather3A_141 = vector.shape_cast %broadcast_in_dim3A_140 : vector<16x1xi32> to vector<16xi32>
    %gather3A_142 = tpu.dynamic_gather %get3A_54[%gather3A_141] in [0] : vector<16xf32>, vector<16xi32> -> vector<16xf32>
    %select_n3A_143 = arith.select %eq3A_139, %gather3A_142, %select_n3A_136 : vector<16xi1>, vector<16xf32>
    %eq3A_144 = arith.constant 2 : i32
    %eq3A_145 = vector.broadcast %eq3A_144 : i32 to vector<16xi32>
    %eq3A_146 = arith.cmpi eq, %shift_right_logical3A_68, %eq3A_145 : vector<16xi32>
    %broadcast_in_dim3A_147 = vector.shape_cast %and3A_66 : vector<16xi32> to vector<16x1xi32>
    %gather3A_148 = vector.shape_cast %broadcast_in_dim3A_147 : vector<16x1xi32> to vector<16xi32>
    %gather3A_149 = tpu.dynamic_gather %get3A_57[%gather3A_148] in [0] : vector<16xf32>, vector<16xi32> -> vector<16xf32>
    %select_n3A_150 = arith.select %eq3A_146, %gather3A_149, %select_n3A_143 : vector<16xi1>, vector<16xf32>
    %eq3A_151 = arith.constant 3 : i32
    %eq3A_152 = vector.broadcast %eq3A_151 : i32 to vector<16xi32>
    %eq3A_153 = arith.cmpi eq, %shift_right_logical3A_68, %eq3A_152 : vector<16xi32>
    %broadcast_in_dim3A_154 = vector.shape_cast %and3A_66 : vector<16xi32> to vector<16x1xi32>
    %gather3A_155 = vector.shape_cast %broadcast_in_dim3A_154 : vector<16x1xi32> to vector<16xi32>
    %gather3A_156 = tpu.dynamic_gather %get3A_60[%gather3A_155] in [0] : vector<16xf32>, vector<16xi32> -> vector<16xf32>
    %select_n3A_157 = arith.select %eq3A_153, %gather3A_156, %select_n3A_150 : vector<16xi1>, vector<16xf32>
    %swap3A_158 = arith.constant 0 : index
    %swap3A_159 = tpu.vector_load %arg15[%swap3A_158] {strides = array<i32>} : memref<64xf32, #tpu.memory_space<vmem>>, vector<16xf32>,
    %swap3A_160 = vector.shape_cast %swap3A_159 : vector<16xf32> to vector<16xf32>
    %swap3A_161 = vector.shape_cast %select_n3A_157 : vector<16xf32> to vector<16xf32>
    tpu.vector_store %arg15[%swap3A_158], %swap3A_161 {strides = array<i32>} : memref<64xf32, #tpu.memory_space<vmem>>, vector<16xf32>,
    %get3A_162 = arith.constant 16 : index
    %get3A_163 = tpu.vector_load %arg9[%get3A_162] {strides = array<i32>} : memref<64xi32, #tpu.memory_space<vmem>>, vector<16xi32>,
    %get3A_164 = vector.shape_cast %get3A_163 : vector<16xi32> to vector<16xi32>
    %and3A_165 = arith.constant 15 : i32
    %and3A_166 = vector.broadcast %and3A_165 : i32 to vector<16xi32>
    %and3A_167 = arith.andi %get3A_164, %and3A_166 : vector<16xi32>
    %shift_right_logical3A_168 = arith.constant 4 : i32
    %shift_right_logical3A_169 = vector.broadcast %shift_right_logical3A_168 : i32 to vector<16xi32>
    %shift_right_logical3A_170 = arith.shrui %get3A_164, %shift_right_logical3A_169 : vector<16xi32>
    %eq3A_171 = arith.constant 0 : i32
    %eq3A_172 = vector.broadcast %eq3A_171 : i32 to vector<16xi32>
    %eq3A_173 = arith.cmpi eq, %shift_right_logical3A_170, %eq3A_172 : vector<16xi32>
    %broadcast_in_dim3A_174 = vector.shape_cast %and3A_167 : vector<16xi32> to vector<16x1xi32>
    %gather3A_175 = vector.shape_cast %broadcast_in_dim3A_174 : vector<16x1xi32> to vector<16xi32>
    %gather3A_176 = tpu.dynamic_gather %get3A_27[%gather3A_175] in [0] : vector<16xf32>, vector<16xi32> -> vector<16xf32>
    %select_n3A_177 = arith.select %eq3A_173, %gather3A_176, %broadcast_in_dim3A_25 : vector<16xi1>, vector<16xf32>
    %eq3A_178 = arith.constant 1 : i32
    %eq3A_179 = vector.broadcast %eq3A_178 : i32 to vector<16xi32>
    %eq3A_180 = arith.cmpi eq, %shift_right_logical3A_170, %eq3A_179 : vector<16xi32>
    %broadcast_in_dim3A_181 = vector.shape_cast %and3A_167 : vector<16xi32> to vector<16x1xi32>
    %gather3A_182 = vector.shape_cast %broadcast_in_dim3A_181 : vector<16x1xi32> to vector<16xi32>
    %gather3A_183 = tpu.dynamic_gather %get3A_30[%gather3A_182] in [0] : vector<16xf32>, vector<16xi32> -> vector<16xf32>
    %select_n3A_184 = arith.select %eq3A_180, %gather3A_183, %select_n3A_177 : vector<16xi1>, vector<16xf32>
    %eq3A_185 = arith.constant 2 : i32
    %eq3A_186 = vector.broadcast %eq3A_185 : i32 to vector<16xi32>
    %eq3A_187 = arith.cmpi eq, %shift_right_logical3A_170, %eq3A_186 : vector<16xi32>
    %broadcast_in_dim3A_188 = vector.shape_cast %and3A_167 : vector<16xi32> to vector<16x1xi32>
    %gather3A_189 = vector.shape_cast %broadcast_in_dim3A_188 : vector<16x1xi32> to vector<16xi32>
    %gather3A_190 = tpu.dynamic_gather %get3A_33[%gather3A_189] in [0] : vector<16xf32>, vector<16xi32> -> vector<16xf32>
    %select_n3A_191 = arith.select %eq3A_187, %gather3A_190, %select_n3A_184 : vector<16xi1>, vector<16xf32>
    %eq3A_192 = arith.constant 3 : i32
    %eq3A_193 = vector.broadcast %eq3A_192 : i32 to vector<16xi32>
    %eq3A_194 = arith.cmpi eq, %shift_right_logical3A_170, %eq3A_193 : vector<16xi32>
    %broadcast_in_dim3A_195 = vector.shape_cast %and3A_167 : vector<16xi32> to vector<16x1xi32>
    %gather3A_196 = vector.shape_cast %broadcast_in_dim3A_195 : vector<16x1xi32> to vector<16xi32>
    %gather3A_197 = tpu.dynamic_gather %get3A_36[%gather3A_196] in [0] : vector<16xf32>, vector<16xi32> -> vector<16xf32>
    %select_n3A_198 = arith.select %eq3A_194, %gather3A_197, %select_n3A_191 : vector<16xi1>, vector<16xf32>
    %swap3A_199 = arith.constant 16 : index
    %swap3A_200 = tpu.vector_load %arg13[%swap3A_199] {strides = array<i32>} : memref<64xf32, #tpu.memory_space<vmem>>, vector<16xf32>,
    %swap3A_201 = vector.shape_cast %swap3A_200 : vector<16xf32> to vector<16xf32>
    %swap3A_202 = vector.shape_cast %select_n3A_198 : vector<16xf32> to vector<16xf32>
    tpu.vector_store %arg13[%swap3A_199], %swap3A_202 {strides = array<i32>} : memref<64xf32, #tpu.memory_space<vmem>>, vector<16xf32>,
    %eq3A_203 = arith.constant 0 : i32
    %eq3A_204 = vector.broadcast %eq3A_203 : i32 to vector<16xi32>
    %eq3A_205 = arith.cmpi eq, %shift_right_logical3A_170, %eq3A_204 : vector<16xi32>
    %broadcast_in_dim3A_206 = vector.shape_cast %and3A_167 : vector<16xi32> to vector<16x1xi32>
    %gather3A_207 = vector.shape_cast %broadcast_in_dim3A_206 : vector<16x1xi32> to vector<16xi32>
    %gather3A_208 = tpu.dynamic_gather %get3A_39[%gather3A_207] in [0] : vector<16xf32>, vector<16xi32> -> vector<16xf32>
    %select_n3A_209 = arith.select %eq3A_205, %gather3A_208, %broadcast_in_dim3A_25 : vector<16xi1>, vector<16xf32>
    %eq3A_210 = arith.constant 1 : i32
    %eq3A_211 = vector.broadcast %eq3A_210 : i32 to vector<16xi32>
    %eq3A_212 = arith.cmpi eq, %shift_right_logical3A_170, %eq3A_211 : vector<16xi32>
    %broadcast_in_dim3A_213 = vector.shape_cast %and3A_167 : vector<16xi32> to vector<16x1xi32>
    %gather3A_214 = vector.shape_cast %broadcast_in_dim3A_213 : vector<16x1xi32> to vector<16xi32>
    %gather3A_215 = tpu.dynamic_gather %get3A_42[%gather3A_214] in [0] : vector<16xf32>, vector<16xi32> -> vector<16xf32>
    %select_n3A_216 = arith.select %eq3A_212, %gather3A_215, %select_n3A_209 : vector<16xi1>, vector<16xf32>
    %eq3A_217 = arith.constant 2 : i32
    %eq3A_218 = vector.broadcast %eq3A_217 : i32 to vector<16xi32>
    %eq3A_219 = arith.cmpi eq, %shift_right_logical3A_170, %eq3A_218 : vector<16xi32>
    %broadcast_in_dim3A_220 = vector.shape_cast %and3A_167 : vector<16xi32> to vector<16x1xi32>
    %gather3A_221 = vector.shape_cast %broadcast_in_dim3A_220 : vector<16x1xi32> to vector<16xi32>
    %gather3A_222 = tpu.dynamic_gather %get3A_45[%gather3A_221] in [0] : vector<16xf32>, vector<16xi32> -> vector<16xf32>
    %select_n3A_223 = arith.select %eq3A_219, %gather3A_222, %select_n3A_216 : vector<16xi1>, vector<16xf32>
    %eq3A_224 = arith.constant 3 : i32
    %eq3A_225 = vector.broadcast %eq3A_224 : i32 to vector<16xi32>
    %eq3A_226 = arith.cmpi eq, %shift_right_logical3A_170, %eq3A_225 : vector<16xi32>
    %broadcast_in_dim3A_227 = vector.shape_cast %and3A_167 : vector<16xi32> to vector<16x1xi32>
    %gather3A_228 = vector.shape_cast %broadcast_in_dim3A_227 : vector<16x1xi32> to vector<16xi32>
    %gather3A_229 = tpu.dynamic_gather %get3A_48[%gather3A_228] in [0] : vector<16xf32>, vector<16xi32> -> vector<16xf32>
    %select_n3A_230 = arith.select %eq3A_226, %gather3A_229, %select_n3A_223 : vector<16xi1>, vector<16xf32>
    %swap3A_231 = arith.constant 16 : index
    %swap3A_232 = tpu.vector_load %arg14[%swap3A_231] {strides = array<i32>} : memref<64xf32, #tpu.memory_space<vmem>>, vector<16xf32>,
    %swap3A_233 = vector.shape_cast %swap3A_232 : vector<16xf32> to vector<16xf32>
    %swap3A_234 = vector.shape_cast %select_n3A_230 : vector<16xf32> to vector<16xf32>
    tpu.vector_store %arg14[%swap3A_231], %swap3A_234 {strides = array<i32>} : memref<64xf32, #tpu.memory_space<vmem>>, vector<16xf32>,
    %eq3A_235 = arith.constant 0 : i32
    %eq3A_236 = vector.broadcast %eq3A_235 : i32 to vector<16xi32>
    %eq3A_237 = arith.cmpi eq, %shift_right_logical3A_170, %eq3A_236 : vector<16xi32>
    %broadcast_in_dim3A_238 = vector.shape_cast %and3A_167 : vector<16xi32> to vector<16x1xi32>
    %gather3A_239 = vector.shape_cast %broadcast_in_dim3A_238 : vector<16x1xi32> to vector<16xi32>
    %gather3A_240 = tpu.dynamic_gather %get3A_51[%gather3A_239] in [0] : vector<16xf32>, vector<16xi32> -> vector<16xf32>
    %select_n3A_241 = arith.select %eq3A_237, %gather3A_240, %broadcast_in_dim3A_25 : vector<16xi1>, vector<16xf32>
    %eq3A_242 = arith.constant 1 : i32
    %eq3A_243 = vector.broadcast %eq3A_242 : i32 to vector<16xi32>
    %eq3A_244 = arith.cmpi eq, %shift_right_logical3A_170, %eq3A_243 : vector<16xi32>
    %broadcast_in_dim3A_245 = vector.shape_cast %and3A_167 : vector<16xi32> to vector<16x1xi32>
    %gather3A_246 = vector.shape_cast %broadcast_in_dim3A_245 : vector<16x1xi32> to vector<16xi32>
    %gather3A_247 = tpu.dynamic_gather %get3A_54[%gather3A_246] in [0] : vector<16xf32>, vector<16xi32> -> vector<16xf32>
    %select_n3A_248 = arith.select %eq3A_244, %gather3A_247, %select_n3A_241 : vector<16xi1>, vector<16xf32>
    %eq3A_249 = arith.constant 2 : i32
    %eq3A_250 = vector.broadcast %eq3A_249 : i32 to vector<16xi32>
    %eq3A_251 = arith.cmpi eq, %shift_right_logical3A_170, %eq3A_250 : vector<16xi32>
    %broadcast_in_dim3A_252 = vector.shape_cast %and3A_167 : vector<16xi32> to vector<16x1xi32>
    %gather3A_253 = vector.shape_cast %broadcast_in_dim3A_252 : vector<16x1xi32> to vector<16xi32>
    %gather3A_254 = tpu.dynamic_gather %get3A_57[%gather3A_253] in [0] : vector<16xf32>, vector<16xi32> -> vector<16xf32>
    %select_n3A_255 = arith.select %eq3A_251, %gather3A_254, %select_n3A_248 : vector<16xi1>, vector<16xf32>
    %eq3A_256 = arith.constant 3 : i32
    %eq3A_257 = vector.broadcast %eq3A_256 : i32 to vector<16xi32>
    %eq3A_258 = arith.cmpi eq, %shift_right_logical3A_170, %eq3A_257 : vector<16xi32>
    %broadcast_in_dim3A_259 = vector.shape_cast %and3A_167 : vector<16xi32> to vector<16x1xi32>
    %gather3A_260 = vector.shape_cast %broadcast_in_dim3A_259 : vector<16x1xi32> to vector<16xi32>
    %gather3A_261 = tpu.dynamic_gather %get3A_60[%gather3A_260] in [0] : vector<16xf32>, vector<16xi32> -> vector<16xf32>
    %select_n3A_262 = arith.select %eq3A_258, %gather3A_261, %select_n3A_255 : vector<16xi1>, vector<16xf32>
    %swap3A_263 = arith.constant 16 : index
    %swap3A_264 = tpu.vector_load %arg15[%swap3A_263] {strides = array<i32>} : memref<64xf32, #tpu.memory_space<vmem>>, vector<16xf32>,
    %swap3A_265 = vector.shape_cast %swap3A_264 : vector<16xf32> to vector<16xf32>
    %swap3A_266 = vector.shape_cast %select_n3A_262 : vector<16xf32> to vector<16xf32>
    tpu.vector_store %arg15[%swap3A_263], %swap3A_266 {strides = array<i32>} : memref<64xf32, #tpu.memory_space<vmem>>, vector<16xf32>,
    %get3A_267 = arith.constant 32 : index
    %get3A_268 = tpu.vector_load %arg9[%get3A_267] {strides = array<i32>} : memref<64xi32, #tpu.memory_space<vmem>>, vector<16xi32>,
    %get3A_269 = vector.shape_cast %get3A_268 : vector<16xi32> to vector<16xi32>
    %and3A_270 = arith.constant 15 : i32
    %and3A_271 = vector.broadcast %and3A_270 : i32 to vector<16xi32>
    %and3A_272 = arith.andi %get3A_269, %and3A_271 : vector<16xi32>
    %shift_right_logical3A_273 = arith.constant 4 : i32
    %shift_right_logical3A_274 = vector.broadcast %shift_right_logical3A_273 : i32 to vector<16xi32>
    %shift_right_logical3A_275 = arith.shrui %get3A_269, %shift_right_logical3A_274 : vector<16xi32>
    %eq3A_276 = arith.constant 0 : i32
    %eq3A_277 = vector.broadcast %eq3A_276 : i32 to vector<16xi32>
    %eq3A_278 = arith.cmpi eq, %shift_right_logical3A_275, %eq3A_277 : vector<16xi32>
    %broadcast_in_dim3A_279 = vector.shape_cast %and3A_272 : vector<16xi32> to vector<16x1xi32>
    %gather3A_280 = vector.shape_cast %broadcast_in_dim3A_279 : vector<16x1xi32> to vector<16xi32>
    %gather3A_281 = tpu.dynamic_gather %get3A_27[%gather3A_280] in [0] : vector<16xf32>, vector<16xi32> -> vector<16xf32>
    %select_n3A_282 = arith.select %eq3A_278, %gather3A_281, %broadcast_in_dim3A_25 : vector<16xi1>, vector<16xf32>
    %eq3A_283 = arith.constant 1 : i32
    %eq3A_284 = vector.broadcast %eq3A_283 : i32 to vector<16xi32>
    %eq3A_285 = arith.cmpi eq, %shift_right_logical3A_275, %eq3A_284 : vector<16xi32>
    %broadcast_in_dim3A_286 = vector.shape_cast %and3A_272 : vector<16xi32> to vector<16x1xi32>
    %gather3A_287 = vector.shape_cast %broadcast_in_dim3A_286 : vector<16x1xi32> to vector<16xi32>
    %gather3A_288 = tpu.dynamic_gather %get3A_30[%gather3A_287] in [0] : vector<16xf32>, vector<16xi32> -> vector<16xf32>
    %select_n3A_289 = arith.select %eq3A_285, %gather3A_288, %select_n3A_282 : vector<16xi1>, vector<16xf32>
    %eq3A_290 = arith.constant 2 : i32
    %eq3A_291 = vector.broadcast %eq3A_290 : i32 to vector<16xi32>
    %eq3A_292 = arith.cmpi eq, %shift_right_logical3A_275, %eq3A_291 : vector<16xi32>
    %broadcast_in_dim3A_293 = vector.shape_cast %and3A_272 : vector<16xi32> to vector<16x1xi32>
    %gather3A_294 = vector.shape_cast %broadcast_in_dim3A_293 : vector<16x1xi32> to vector<16xi32>
    %gather3A_295 = tpu.dynamic_gather %get3A_33[%gather3A_294] in [0] : vector<16xf32>, vector<16xi32> -> vector<16xf32>
    %select_n3A_296 = arith.select %eq3A_292, %gather3A_295, %select_n3A_289 : vector<16xi1>, vector<16xf32>
    %eq3A_297 = arith.constant 3 : i32
    %eq3A_298 = vector.broadcast %eq3A_297 : i32 to vector<16xi32>
    %eq3A_299 = arith.cmpi eq, %shift_right_logical3A_275, %eq3A_298 : vector<16xi32>
    %broadcast_in_dim3A_300 = vector.shape_cast %and3A_272 : vector<16xi32> to vector<16x1xi32>
    %gather3A_301 = vector.shape_cast %broadcast_in_dim3A_300 : vector<16x1xi32> to vector<16xi32>
    %gather3A_302 = tpu.dynamic_gather %get3A_36[%gather3A_301] in [0] : vector<16xf32>, vector<16xi32> -> vector<16xf32>
    %select_n3A_303 = arith.select %eq3A_299, %gather3A_302, %select_n3A_296 : vector<16xi1>, vector<16xf32>
    %swap3A_304 = arith.constant 32 : index
    %swap3A_305 = tpu.vector_load %arg13[%swap3A_304] {strides = array<i32>} : memref<64xf32, #tpu.memory_space<vmem>>, vector<16xf32>,
    %swap3A_306 = vector.shape_cast %swap3A_305 : vector<16xf32> to vector<16xf32>
    %swap3A_307 = vector.shape_cast %select_n3A_303 : vector<16xf32> to vector<16xf32>
    tpu.vector_store %arg13[%swap3A_304], %swap3A_307 {strides = array<i32>} : memref<64xf32, #tpu.memory_space<vmem>>, vector<16xf32>,
    %eq3A_308 = arith.constant 0 : i32
    %eq3A_309 = vector.broadcast %eq3A_308 : i32 to vector<16xi32>
    %eq3A_310 = arith.cmpi eq, %shift_right_logical3A_275, %eq3A_309 : vector<16xi32>
    %broadcast_in_dim3A_311 = vector.shape_cast %and3A_272 : vector<16xi32> to vector<16x1xi32>
    %gather3A_312 = vector.shape_cast %broadcast_in_dim3A_311 : vector<16x1xi32> to vector<16xi32>
    %gather3A_313 = tpu.dynamic_gather %get3A_39[%gather3A_312] in [0] : vector<16xf32>, vector<16xi32> -> vector<16xf32>
    %select_n3A_314 = arith.select %eq3A_310, %gather3A_313, %broadcast_in_dim3A_25 : vector<16xi1>, vector<16xf32>
    %eq3A_315 = arith.constant 1 : i32
    %eq3A_316 = vector.broadcast %eq3A_315 : i32 to vector<16xi32>
    %eq3A_317 = arith.cmpi eq, %shift_right_logical3A_275, %eq3A_316 : vector<16xi32>
    %broadcast_in_dim3A_318 = vector.shape_cast %and3A_272 : vector<16xi32> to vector<16x1xi32>
    %gather3A_319 = vector.shape_cast %broadcast_in_dim3A_318 : vector<16x1xi32> to vector<16xi32>
    %gather3A_320 = tpu.dynamic_gather %get3A_42[%gather3A_319] in [0] : vector<16xf32>, vector<16xi32> -> vector<16xf32>
    %select_n3A_321 = arith.select %eq3A_317, %gather3A_320, %select_n3A_314 : vector<16xi1>, vector<16xf32>
    %eq3A_322 = arith.constant 2 : i32
    %eq3A_323 = vector.broadcast %eq3A_322 : i32 to vector<16xi32>
    %eq3A_324 = arith.cmpi eq, %shift_right_logical3A_275, %eq3A_323 : vector<16xi32>
    %broadcast_in_dim3A_325 = vector.shape_cast %and3A_272 : vector<16xi32> to vector<16x1xi32>
    %gather3A_326 = vector.shape_cast %broadcast_in_dim3A_325 : vector<16x1xi32> to vector<16xi32>
    %gather3A_327 = tpu.dynamic_gather %get3A_45[%gather3A_326] in [0] : vector<16xf32>, vector<16xi32> -> vector<16xf32>
    %select_n3A_328 = arith.select %eq3A_324, %gather3A_327, %select_n3A_321 : vector<16xi1>, vector<16xf32>
    %eq3A_329 = arith.constant 3 : i32
    %eq3A_330 = vector.broadcast %eq3A_329 : i32 to vector<16xi32>
    %eq3A_331 = arith.cmpi eq, %shift_right_logical3A_275, %eq3A_330 : vector<16xi32>
    %broadcast_in_dim3A_332 = vector.shape_cast %and3A_272 : vector<16xi32> to vector<16x1xi32>
    %gather3A_333 = vector.shape_cast %broadcast_in_dim3A_332 : vector<16x1xi32> to vector<16xi32>
    %gather3A_334 = tpu.dynamic_gather %get3A_48[%gather3A_333] in [0] : vector<16xf32>, vector<16xi32> -> vector<16xf32>
    %select_n3A_335 = arith.select %eq3A_331, %gather3A_334, %select_n3A_328 : vector<16xi1>, vector<16xf32>
    %swap3A_336 = arith.constant 32 : index
    %swap3A_337 = tpu.vector_load %arg14[%swap3A_336] {strides = array<i32>} : memref<64xf32, #tpu.memory_space<vmem>>, vector<16xf32>,
    %swap3A_338 = vector.shape_cast %swap3A_337 : vector<16xf32> to vector<16xf32>
    %swap3A_339 = vector.shape_cast %select_n3A_335 : vector<16xf32> to vector<16xf32>
    tpu.vector_store %arg14[%swap3A_336], %swap3A_339 {strides = array<i32>} : memref<64xf32, #tpu.memory_space<vmem>>, vector<16xf32>,
    %eq3A_340 = arith.constant 0 : i32
    %eq3A_341 = vector.broadcast %eq3A_340 : i32 to vector<16xi32>
    %eq3A_342 = arith.cmpi eq, %shift_right_logical3A_275, %eq3A_341 : vector<16xi32>
    %broadcast_in_dim3A_343 = vector.shape_cast %and3A_272 : vector<16xi32> to vector<16x1xi32>
    %gather3A_344 = vector.shape_cast %broadcast_in_dim3A_343 : vector<16x1xi32> to vector<16xi32>
    %gather3A_345 = tpu.dynamic_gather %get3A_51[%gather3A_344] in [0] : vector<16xf32>, vector<16xi32> -> vector<16xf32>
    %select_n3A_346 = arith.select %eq3A_342, %gather3A_345, %broadcast_in_dim3A_25 : vector<16xi1>, vector<16xf32>
    %eq3A_347 = arith.constant 1 : i32
    %eq3A_348 = vector.broadcast %eq3A_347 : i32 to vector<16xi32>
    %eq3A_349 = arith.cmpi eq, %shift_right_logical3A_275, %eq3A_348 : vector<16xi32>
    %broadcast_in_dim3A_350 = vector.shape_cast %and3A_272 : vector<16xi32> to vector<16x1xi32>
    %gather3A_351 = vector.shape_cast %broadcast_in_dim3A_350 : vector<16x1xi32> to vector<16xi32>
    %gather3A_352 = tpu.dynamic_gather %get3A_54[%gather3A_351] in [0] : vector<16xf32>, vector<16xi32> -> vector<16xf32>
    %select_n3A_353 = arith.select %eq3A_349, %gather3A_352, %select_n3A_346 : vector<16xi1>, vector<16xf32>
    %eq3A_354 = arith.constant 2 : i32
    %eq3A_355 = vector.broadcast %eq3A_354 : i32 to vector<16xi32>
    %eq3A_356 = arith.cmpi eq, %shift_right_logical3A_275, %eq3A_355 : vector<16xi32>
    %broadcast_in_dim3A_357 = vector.shape_cast %and3A_272 : vector<16xi32> to vector<16x1xi32>
    %gather3A_358 = vector.shape_cast %broadcast_in_dim3A_357 : vector<16x1xi32> to vector<16xi32>
    %gather3A_359 = tpu.dynamic_gather %get3A_57[%gather3A_358] in [0] : vector<16xf32>, vector<16xi32> -> vector<16xf32>
    %select_n3A_360 = arith.select %eq3A_356, %gather3A_359, %select_n3A_353 : vector<16xi1>, vector<16xf32>
    %eq3A_361 = arith.constant 3 : i32
    %eq3A_362 = vector.broadcast %eq3A_361 : i32 to vector<16xi32>
    %eq3A_363 = arith.cmpi eq, %shift_right_logical3A_275, %eq3A_362 : vector<16xi32>
    %broadcast_in_dim3A_364 = vector.shape_cast %and3A_272 : vector<16xi32> to vector<16x1xi32>
    %gather3A_365 = vector.shape_cast %broadcast_in_dim3A_364 : vector<16x1xi32> to vector<16xi32>
    %gather3A_366 = tpu.dynamic_gather %get3A_60[%gather3A_365] in [0] : vector<16xf32>, vector<16xi32> -> vector<16xf32>
    %select_n3A_367 = arith.select %eq3A_363, %gather3A_366, %select_n3A_360 : vector<16xi1>, vector<16xf32>
    %swap3A_368 = arith.constant 32 : index
    %swap3A_369 = tpu.vector_load %arg15[%swap3A_368] {strides = array<i32>} : memref<64xf32, #tpu.memory_space<vmem>>, vector<16xf32>,
    %swap3A_370 = vector.shape_cast %swap3A_369 : vector<16xf32> to vector<16xf32>
    %swap3A_371 = vector.shape_cast %select_n3A_367 : vector<16xf32> to vector<16xf32>
    tpu.vector_store %arg15[%swap3A_368], %swap3A_371 {strides = array<i32>} : memref<64xf32, #tpu.memory_space<vmem>>, vector<16xf32>,
    %get3A_372 = arith.constant 48 : index
    %get3A_373 = tpu.vector_load %arg9[%get3A_372] {strides = array<i32>} : memref<64xi32, #tpu.memory_space<vmem>>, vector<16xi32>,
    %get3A_374 = vector.shape_cast %get3A_373 : vector<16xi32> to vector<16xi32>
    %and3A_375 = arith.constant 15 : i32
    %and3A_376 = vector.broadcast %and3A_375 : i32 to vector<16xi32>
    %and3A_377 = arith.andi %get3A_374, %and3A_376 : vector<16xi32>
    %shift_right_logical3A_378 = arith.constant 4 : i32
    %shift_right_logical3A_379 = vector.broadcast %shift_right_logical3A_378 : i32 to vector<16xi32>
    %shift_right_logical3A_380 = arith.shrui %get3A_374, %shift_right_logical3A_379 : vector<16xi32>
    %eq3A_381 = arith.constant 0 : i32
    %eq3A_382 = vector.broadcast %eq3A_381 : i32 to vector<16xi32>
    %eq3A_383 = arith.cmpi eq, %shift_right_logical3A_380, %eq3A_382 : vector<16xi32>
    %broadcast_in_dim3A_384 = vector.shape_cast %and3A_377 : vector<16xi32> to vector<16x1xi32>
    %gather3A_385 = vector.shape_cast %broadcast_in_dim3A_384 : vector<16x1xi32> to vector<16xi32>
    %gather3A_386 = tpu.dynamic_gather %get3A_27[%gather3A_385] in [0] : vector<16xf32>, vector<16xi32> -> vector<16xf32>
    %select_n3A_387 = arith.select %eq3A_383, %gather3A_386, %broadcast_in_dim3A_25 : vector<16xi1>, vector<16xf32>
    %eq3A_388 = arith.constant 1 : i32
    %eq3A_389 = vector.broadcast %eq3A_388 : i32 to vector<16xi32>
    %eq3A_390 = arith.cmpi eq, %shift_right_logical3A_380, %eq3A_389 : vector<16xi32>
    %broadcast_in_dim3A_391 = vector.shape_cast %and3A_377 : vector<16xi32> to vector<16x1xi32>
    %gather3A_392 = vector.shape_cast %broadcast_in_dim3A_391 : vector<16x1xi32> to vector<16xi32>
    %gather3A_393 = tpu.dynamic_gather %get3A_30[%gather3A_392] in [0] : vector<16xf32>, vector<16xi32> -> vector<16xf32>
    %select_n3A_394 = arith.select %eq3A_390, %gather3A_393, %select_n3A_387 : vector<16xi1>, vector<16xf32>
    %eq3A_395 = arith.constant 2 : i32
    %eq3A_396 = vector.broadcast %eq3A_395 : i32 to vector<16xi32>
    %eq3A_397 = arith.cmpi eq, %shift_right_logical3A_380, %eq3A_396 : vector<16xi32>
    %broadcast_in_dim3A_398 = vector.shape_cast %and3A_377 : vector<16xi32> to vector<16x1xi32>
    %gather3A_399 = vector.shape_cast %broadcast_in_dim3A_398 : vector<16x1xi32> to vector<16xi32>
    %gather3A_400 = tpu.dynamic_gather %get3A_33[%gather3A_399] in [0] : vector<16xf32>, vector<16xi32> -> vector<16xf32>
    %select_n3A_401 = arith.select %eq3A_397, %gather3A_400, %select_n3A_394 : vector<16xi1>, vector<16xf32>
    %eq3A_402 = arith.constant 3 : i32
    %eq3A_403 = vector.broadcast %eq3A_402 : i32 to vector<16xi32>
    %eq3A_404 = arith.cmpi eq, %shift_right_logical3A_380, %eq3A_403 : vector<16xi32>
    %broadcast_in_dim3A_405 = vector.shape_cast %and3A_377 : vector<16xi32> to vector<16x1xi32>
    %gather3A_406 = vector.shape_cast %broadcast_in_dim3A_405 : vector<16x1xi32> to vector<16xi32>
    %gather3A_407 = tpu.dynamic_gather %get3A_36[%gather3A_406] in [0] : vector<16xf32>, vector<16xi32> -> vector<16xf32>
    %select_n3A_408 = arith.select %eq3A_404, %gather3A_407, %select_n3A_401 : vector<16xi1>, vector<16xf32>
    %swap3A_409 = arith.constant 48 : index
    %swap3A_410 = tpu.vector_load %arg13[%swap3A_409] {strides = array<i32>} : memref<64xf32, #tpu.memory_space<vmem>>, vector<16xf32>,
    %swap3A_411 = vector.shape_cast %swap3A_410 : vector<16xf32> to vector<16xf32>
    %swap3A_412 = vector.shape_cast %select_n3A_408 : vector<16xf32> to vector<16xf32>
    tpu.vector_store %arg13[%swap3A_409], %swap3A_412 {strides = array<i32>} : memref<64xf32, #tpu.memory_space<vmem>>, vector<16xf32>,
    %eq3A_413 = arith.constant 0 : i32
    %eq3A_414 = vector.broadcast %eq3A_413 : i32 to vector<16xi32>
    %eq3A_415 = arith.cmpi eq, %shift_right_logical3A_380, %eq3A_414 : vector<16xi32>
    %broadcast_in_dim3A_416 = vector.shape_cast %and3A_377 : vector<16xi32> to vector<16x1xi32>
    %gather3A_417 = vector.shape_cast %broadcast_in_dim3A_416 : vector<16x1xi32> to vector<16xi32>
    %gather3A_418 = tpu.dynamic_gather %get3A_39[%gather3A_417] in [0] : vector<16xf32>, vector<16xi32> -> vector<16xf32>
    %select_n3A_419 = arith.select %eq3A_415, %gather3A_418, %broadcast_in_dim3A_25 : vector<16xi1>, vector<16xf32>
    %eq3A_420 = arith.constant 1 : i32
    %eq3A_421 = vector.broadcast %eq3A_420 : i32 to vector<16xi32>
    %eq3A_422 = arith.cmpi eq, %shift_right_logical3A_380, %eq3A_421 : vector<16xi32>
    %broadcast_in_dim3A_423 = vector.shape_cast %and3A_377 : vector<16xi32> to vector<16x1xi32>
    %gather3A_424 = vector.shape_cast %broadcast_in_dim3A_423 : vector<16x1xi32> to vector<16xi32>
    %gather3A_425 = tpu.dynamic_gather %get3A_42[%gather3A_424] in [0] : vector<16xf32>, vector<16xi32> -> vector<16xf32>
    %select_n3A_426 = arith.select %eq3A_422, %gather3A_425, %select_n3A_419 : vector<16xi1>, vector<16xf32>
    %eq3A_427 = arith.constant 2 : i32
    %eq3A_428 = vector.broadcast %eq3A_427 : i32 to vector<16xi32>
    %eq3A_429 = arith.cmpi eq, %shift_right_logical3A_380, %eq3A_428 : vector<16xi32>
    %broadcast_in_dim3A_430 = vector.shape_cast %and3A_377 : vector<16xi32> to vector<16x1xi32>
    %gather3A_431 = vector.shape_cast %broadcast_in_dim3A_430 : vector<16x1xi32> to vector<16xi32>
    %gather3A_432 = tpu.dynamic_gather %get3A_45[%gather3A_431] in [0] : vector<16xf32>, vector<16xi32> -> vector<16xf32>
    %select_n3A_433 = arith.select %eq3A_429, %gather3A_432, %select_n3A_426 : vector<16xi1>, vector<16xf32>
    %eq3A_434 = arith.constant 3 : i32
    %eq3A_435 = vector.broadcast %eq3A_434 : i32 to vector<16xi32>
    %eq3A_436 = arith.cmpi eq, %shift_right_logical3A_380, %eq3A_435 : vector<16xi32>
    %broadcast_in_dim3A_437 = vector.shape_cast %and3A_377 : vector<16xi32> to vector<16x1xi32>
    %gather3A_438 = vector.shape_cast %broadcast_in_dim3A_437 : vector<16x1xi32> to vector<16xi32>
    %gather3A_439 = tpu.dynamic_gather %get3A_48[%gather3A_438] in [0] : vector<16xf32>, vector<16xi32> -> vector<16xf32>
    %select_n3A_440 = arith.select %eq3A_436, %gather3A_439, %select_n3A_433 : vector<16xi1>, vector<16xf32>
    %swap3A_441 = arith.constant 48 : index
    %swap3A_442 = tpu.vector_load %arg14[%swap3A_441] {strides = array<i32>} : memref<64xf32, #tpu.memory_space<vmem>>, vector<16xf32>,
    %swap3A_443 = vector.shape_cast %swap3A_442 : vector<16xf32> to vector<16xf32>
    %swap3A_444 = vector.shape_cast %select_n3A_440 : vector<16xf32> to vector<16xf32>
    tpu.vector_store %arg14[%swap3A_441], %swap3A_444 {strides = array<i32>} : memref<64xf32, #tpu.memory_space<vmem>>, vector<16xf32>,
    %eq3A_445 = arith.constant 0 : i32
    %eq3A_446 = vector.broadcast %eq3A_445 : i32 to vector<16xi32>
    %eq3A_447 = arith.cmpi eq, %shift_right_logical3A_380, %eq3A_446 : vector<16xi32>
    %broadcast_in_dim3A_448 = vector.shape_cast %and3A_377 : vector<16xi32> to vector<16x1xi32>
    %gather3A_449 = vector.shape_cast %broadcast_in_dim3A_448 : vector<16x1xi32> to vector<16xi32>
    %gather3A_450 = tpu.dynamic_gather %get3A_51[%gather3A_449] in [0] : vector<16xf32>, vector<16xi32> -> vector<16xf32>
    %select_n3A_451 = arith.select %eq3A_447, %gather3A_450, %broadcast_in_dim3A_25 : vector<16xi1>, vector<16xf32>
    %eq3A_452 = arith.constant 1 : i32
    %eq3A_453 = vector.broadcast %eq3A_452 : i32 to vector<16xi32>
    %eq3A_454 = arith.cmpi eq, %shift_right_logical3A_380, %eq3A_453 : vector<16xi32>
    %broadcast_in_dim3A_455 = vector.shape_cast %and3A_377 : vector<16xi32> to vector<16x1xi32>
    %gather3A_456 = vector.shape_cast %broadcast_in_dim3A_455 : vector<16x1xi32> to vector<16xi32>
    %gather3A_457 = tpu.dynamic_gather %get3A_54[%gather3A_456] in [0] : vector<16xf32>, vector<16xi32> -> vector<16xf32>
    %select_n3A_458 = arith.select %eq3A_454, %gather3A_457, %select_n3A_451 : vector<16xi1>, vector<16xf32>
    %eq3A_459 = arith.constant 2 : i32
    %eq3A_460 = vector.broadcast %eq3A_459 : i32 to vector<16xi32>
    %eq3A_461 = arith.cmpi eq, %shift_right_logical3A_380, %eq3A_460 : vector<16xi32>
    %broadcast_in_dim3A_462 = vector.shape_cast %and3A_377 : vector<16xi32> to vector<16x1xi32>
    %gather3A_463 = vector.shape_cast %broadcast_in_dim3A_462 : vector<16x1xi32> to vector<16xi32>
    %gather3A_464 = tpu.dynamic_gather %get3A_57[%gather3A_463] in [0] : vector<16xf32>, vector<16xi32> -> vector<16xf32>
    %select_n3A_465 = arith.select %eq3A_461, %gather3A_464, %select_n3A_458 : vector<16xi1>, vector<16xf32>
    %eq3A_466 = arith.constant 3 : i32
    %eq3A_467 = vector.broadcast %eq3A_466 : i32 to vector<16xi32>
    %eq3A_468 = arith.cmpi eq, %shift_right_logical3A_380, %eq3A_467 : vector<16xi32>
    %broadcast_in_dim3A_469 = vector.shape_cast %and3A_377 : vector<16xi32> to vector<16x1xi32>
    %gather3A_470 = vector.shape_cast %broadcast_in_dim3A_469 : vector<16x1xi32> to vector<16xi32>
    %gather3A_471 = tpu.dynamic_gather %get3A_60[%gather3A_470] in [0] : vector<16xf32>, vector<16xi32> -> vector<16xf32>
    %select_n3A_472 = arith.select %eq3A_468, %gather3A_471, %select_n3A_465 : vector<16xi1>, vector<16xf32>
    %swap3A_473 = arith.constant 48 : index
    %swap3A_474 = tpu.vector_load %arg15[%swap3A_473] {strides = array<i32>} : memref<64xf32, #tpu.memory_space<vmem>>, vector<16xf32>,
    %swap3A_475 = vector.shape_cast %swap3A_474 : vector<16xf32> to vector<16xf32>
    %swap3A_476 = vector.shape_cast %select_n3A_472 : vector<16xf32> to vector<16xf32>
    tpu.vector_store %arg15[%swap3A_473], %swap3A_476 {strides = array<i32>} : memref<64xf32, #tpu.memory_space<vmem>>, vector<16xf32>,
    "tpu.region"() ({
      %run_scoped3A = tpu.sem_alloc : memref<!tpu.dma_semaphore, #tpu.memory_space<semaphore_mem>>
      %dma_start3A = tpu.memref_slice %arg6[%mul3A_2] : memref<2048xf32, #tpu.memory_space<hbm>> -> memref<64xf32, #tpu.memory_space<hbm>>
      %dma_start3A_477 = tpu.memref_slice %arg6[%mul3A_2] : memref<2048xf32, #tpu.memory_space<hbm>> -> memref<64xf32, #tpu.memory_space<hbm>>
      tpu.enqueue_dma source(%arg13 : memref<64xf32, #tpu.memory_space<vmem>>) target(%dma_start3A_477 : memref<64xf32, #tpu.memory_space<hbm>>) target_semaphore(%run_scoped3A : memref<!tpu.dma_semaphore, #tpu.memory_space<semaphore_mem>>)
      %dma_wait3A = tpu.memref_slice %arg6[%mul3A_2] : memref<2048xf32, #tpu.memory_space<hbm>> -> memref<64xf32, #tpu.memory_space<hbm>>
      %dma_wait3A_478 = tpu.memref_slice %arg6[%mul3A_2] : memref<2048xf32, #tpu.memory_space<hbm>> -> memref<64xf32, #tpu.memory_space<hbm>>
      tpu.wait_dma2 semaphore(%run_scoped3A : memref<!tpu.dma_semaphore, #tpu.memory_space<semaphore_mem>>) src(%arg13 : memref<64xf32, #tpu.memory_space<vmem>>) dst(%dma_wait3A_478 : memref<64xf32, #tpu.memory_space<hbm>>)
      tpu.yield
    }) : () -> ()
    "tpu.region"() ({
      %run_scoped3A = tpu.sem_alloc : memref<!tpu.dma_semaphore, #tpu.memory_space<semaphore_mem>>
      %dma_start3A = tpu.memref_slice %arg7[%mul3A_2] : memref<2048xf32, #tpu.memory_space<hbm>> -> memref<64xf32, #tpu.memory_space<hbm>>
      %dma_start3A_477 = tpu.memref_slice %arg7[%mul3A_2] : memref<2048xf32, #tpu.memory_space<hbm>> -> memref<64xf32, #tpu.memory_space<hbm>>
      tpu.enqueue_dma source(%arg14 : memref<64xf32, #tpu.memory_space<vmem>>) target(%dma_start3A_477 : memref<64xf32, #tpu.memory_space<hbm>>) target_semaphore(%run_scoped3A : memref<!tpu.dma_semaphore, #tpu.memory_space<semaphore_mem>>)
      %dma_wait3A = tpu.memref_slice %arg7[%mul3A_2] : memref<2048xf32, #tpu.memory_space<hbm>> -> memref<64xf32, #tpu.memory_space<hbm>>
      %dma_wait3A_478 = tpu.memref_slice %arg7[%mul3A_2] : memref<2048xf32, #tpu.memory_space<hbm>> -> memref<64xf32, #tpu.memory_space<hbm>>
      tpu.wait_dma2 semaphore(%run_scoped3A : memref<!tpu.dma_semaphore, #tpu.memory_space<semaphore_mem>>) src(%arg14 : memref<64xf32, #tpu.memory_space<vmem>>) dst(%dma_wait3A_478 : memref<64xf32, #tpu.memory_space<hbm>>)
      tpu.yield
    }) : () -> ()
    "tpu.region"() ({
      %run_scoped3A = tpu.sem_alloc : memref<!tpu.dma_semaphore, #tpu.memory_space<semaphore_mem>>
      %dma_start3A = tpu.memref_slice %arg8[%mul3A_2] : memref<2048xf32, #tpu.memory_space<hbm>> -> memref<64xf32, #tpu.memory_space<hbm>>
      %dma_start3A_477 = tpu.memref_slice %arg8[%mul3A_2] : memref<2048xf32, #tpu.memory_space<hbm>> -> memref<64xf32, #tpu.memory_space<hbm>>
      tpu.enqueue_dma source(%arg15 : memref<64xf32, #tpu.memory_space<vmem>>) target(%dma_start3A_477 : memref<64xf32, #tpu.memory_space<hbm>>) target_semaphore(%run_scoped3A : memref<!tpu.dma_semaphore, #tpu.memory_space<semaphore_mem>>)
      %dma_wait3A = tpu.memref_slice %arg8[%mul3A_2] : memref<2048xf32, #tpu.memory_space<hbm>> -> memref<64xf32, #tpu.memory_space<hbm>>
      %dma_wait3A_478 = tpu.memref_slice %arg8[%mul3A_2] : memref<2048xf32, #tpu.memory_space<hbm>> -> memref<64xf32, #tpu.memory_space<hbm>>
      tpu.wait_dma2 semaphore(%run_scoped3A : memref<!tpu.dma_semaphore, #tpu.memory_space<semaphore_mem>>) src(%arg15 : memref<64xf32, #tpu.memory_space<vmem>>) dst(%dma_wait3A_478 : memref<64xf32, #tpu.memory_space<hbm>>)
      tpu.yield
    }) : () -> ()
    return
  }
}

module attributes {stable_mosaic.version = 14 : i64} {
  func.func @_label_kernel(%arg0: i32, %arg1: memref<2x512x4xf32, #tpu.memory_space<vmem>>, %arg2: memref<2x512x1xf32, #tpu.memory_space<vmem>>, %arg3: memref<2x512x1xf32, #tpu.memory_space<vmem>>, %arg4: memref<2x512x1xf32, #tpu.memory_space<vmem>>, %arg5: memref<2x512x1xi32, #tpu.memory_space<vmem>>, %arg6: memref<2x512x256xf32, #tpu.memory_space<vmem>>, %arg7: memref<2x512x256xf32, #tpu.memory_space<vmem>>, %arg8: memref<2x512x512xf32, #tpu.memory_space<vmem>>, %arg9: memref<2x512x512xf32, #tpu.memory_space<vmem>>) attributes {dimension_semantics = [#tpu.dimension_semantics<arbitrary>], iteration_bounds = array<i64: 2>, scalar_prefetch = 0 : i64, scratch_operands = 0 : i64, tpu.core_type = #tpu.core_type<tc>, window_params = [{transform_indices = @transform_0, window_bounds = array<i64: 2, 512, 4>}, {transform_indices = @transform_1, window_bounds = array<i64: 2, 512, 1>}, {transform_indices = @transform_2, window_bounds = array<i64: 2, 512, 1>}, {transform_indices = @transform_3, window_bounds = array<i64: 2, 512, 1>}, {transform_indices = @transform_4, window_bounds = array<i64: 2, 512, 1>}, {transform_indices = @transform_5, window_bounds = array<i64: 2, 512, 256>}, {transform_indices = @transform_6, window_bounds = array<i64: 2, 512, 256>}, {transform_indices = @transform_7, window_bounds = array<i64: 2, 512, 512>}, {transform_indices = @transform_8, window_bounds = array<i64: 2, 512, 512>}]} {
    %get3A = arith.constant 0 : index
    %get3A_0 = arith.constant 0 : index
    %get3A_1 = arith.constant 0 : index
    %get3A_2 = vector.load %arg1[%get3A, %get3A_0, %get3A_1] : memref<2x512x4xf32, #tpu.memory_space<vmem>>, vector<2x512x4xf32>
    %reshape3A = vector.shape_cast %get3A_2 : vector<2x512x4xf32> to vector<1024x4xf32>
    %get3A_3 = arith.constant 0 : index
    %get3A_4 = arith.constant 0 : index
    %get3A_5 = arith.constant 0 : index
    %get3A_6 = vector.load %arg5[%get3A_3, %get3A_4, %get3A_5] : memref<2x512x1xi32, #tpu.memory_space<vmem>>, vector<2x512x1xi32>
    %reshape3A_7 = vector.shape_cast %get3A_6 : vector<2x512x1xi32> to vector<1024x1xi32>
    %get3A_8 = arith.constant 0 : index
    %get3A_9 = arith.constant 0 : index
    %get3A_10 = arith.constant 0 : index
    %get3A_11 = vector.load %arg2[%get3A_8, %get3A_9, %get3A_10] : memref<2x512x1xf32, #tpu.memory_space<vmem>>, vector<2x512x1xf32>
    %reshape3A_12 = vector.shape_cast %get3A_11 : vector<2x512x1xf32> to vector<1024x1xf32>
    %get3A_13 = arith.constant 0 : index
    %get3A_14 = arith.constant 0 : index
    %get3A_15 = arith.constant 0 : index
    %get3A_16 = vector.load %arg3[%get3A_13, %get3A_14, %get3A_15] : memref<2x512x1xf32, #tpu.memory_space<vmem>>, vector<2x512x1xf32>
    %reshape3A_17 = vector.shape_cast %get3A_16 : vector<2x512x1xf32> to vector<1024x1xf32>
    %get3A_18 = arith.constant 0 : index
    %get3A_19 = arith.constant 0 : index
    %get3A_20 = arith.constant 0 : index
    %get3A_21 = vector.load %arg4[%get3A_18, %get3A_19, %get3A_20] : memref<2x512x1xf32, #tpu.memory_space<vmem>>, vector<2x512x1xf32>
    %reshape3A_22 = vector.shape_cast %get3A_21 : vector<2x512x1xf32> to vector<1024x1xf32>
    %slice3A = vector.extract_strided_slice %reshape3A {offsets = [0, 0], sizes = [1024, 1], strides = [1, 1]} : vector<1024x4xf32> to vector<1024x1xf32>
    %slice3A_23 = vector.extract_strided_slice %reshape3A {offsets = [0, 1], sizes = [1024, 1], strides = [1, 1]} : vector<1024x4xf32> to vector<1024x1xf32>
    %slice3A_24 = vector.extract_strided_slice %reshape3A {offsets = [0, 2], sizes = [1024, 1], strides = [1, 1]} : vector<1024x4xf32> to vector<1024x1xf32>
    %slice3A_25 = vector.extract_strided_slice %reshape3A {offsets = [0, 3], sizes = [1024, 1], strides = [1, 1]} : vector<1024x4xf32> to vector<1024x1xf32>
    %add3A = arith.addf %slice3A, %slice3A_24 : vector<1024x1xf32>
    %mul3A = arith.constant 5.000000e-01 : f32
    %mul3A_26 = vector.broadcast %mul3A : f32 to vector<1024x1xf32>
    %mul3A_27 = arith.mulf %add3A, %mul3A_26 : vector<1024x1xf32>
    %add3A_28 = arith.addf %slice3A_23, %slice3A_25 : vector<1024x1xf32>
    %mul3A_29 = arith.constant 5.000000e-01 : f32
    %mul3A_30 = vector.broadcast %mul3A_29 : f32 to vector<1024x1xf32>
    %mul3A_31 = arith.mulf %add3A_28, %mul3A_30 : vector<1024x1xf32>
    %sub3A = arith.subf %slice3A_24, %slice3A : vector<1024x1xf32>
    %add3A_32 = arith.constant 1.000000e+00 : f32
    %add3A_33 = vector.broadcast %add3A_32 : f32 to vector<1024x1xf32>
    %add3A_34 = arith.addf %sub3A, %add3A_33 : vector<1024x1xf32>
    %mul3A_35 = arith.constant 1.000000e+00 : f32
    %mul3A_36 = vector.broadcast %mul3A_35 : f32 to vector<1024x1xf32>
    %mul3A_37 = arith.mulf %add3A_34, %mul3A_36 : vector<1024x1xf32>
    %sub3A_38 = arith.subf %slice3A_25, %slice3A_23 : vector<1024x1xf32>
    %add3A_39 = arith.constant 1.000000e+00 : f32
    %add3A_40 = vector.broadcast %add3A_39 : f32 to vector<1024x1xf32>
    %add3A_41 = arith.addf %sub3A_38, %add3A_40 : vector<1024x1xf32>
    %mul3A_42 = arith.constant 1.000000e+00 : f32
    %mul3A_43 = vector.broadcast %mul3A_42 : f32 to vector<1024x1xf32>
    %mul3A_44 = arith.mulf %add3A_41, %mul3A_43 : vector<1024x1xf32>
    %sub3A_45 = arith.constant 1.000000e+00 : f32
    %sub3A_46 = vector.broadcast %sub3A_45 : f32 to vector<1024x1xf32>
    %sub3A_47 = arith.subf %mul3A_37, %sub3A_46 : vector<1024x1xf32>
    %mul3A_48 = arith.constant 5.000000e-01 : f32
    %mul3A_49 = vector.broadcast %mul3A_48 : f32 to vector<1024x1xf32>
    %mul3A_50 = arith.mulf %sub3A_47, %mul3A_49 : vector<1024x1xf32>
    %sub3A_51 = arith.subf %mul3A_27, %mul3A_50 : vector<1024x1xf32>
    %sub3A_52 = arith.constant 1.000000e+00 : f32
    %sub3A_53 = vector.broadcast %sub3A_52 : f32 to vector<1024x1xf32>
    %sub3A_54 = arith.subf %mul3A_44, %sub3A_53 : vector<1024x1xf32>
    %mul3A_55 = arith.constant 5.000000e-01 : f32
    %mul3A_56 = vector.broadcast %mul3A_55 : f32 to vector<1024x1xf32>
    %mul3A_57 = arith.mulf %sub3A_54, %mul3A_56 : vector<1024x1xf32>
    %sub3A_58 = arith.subf %mul3A_31, %mul3A_57 : vector<1024x1xf32>
    %sub3A_59 = arith.constant 1.000000e+00 : f32
    %sub3A_60 = vector.broadcast %sub3A_59 : f32 to vector<1024x1xf32>
    %sub3A_61 = arith.subf %mul3A_37, %sub3A_60 : vector<1024x1xf32>
    %mul3A_62 = arith.constant 5.000000e-01 : f32
    %mul3A_63 = vector.broadcast %mul3A_62 : f32 to vector<1024x1xf32>
    %mul3A_64 = arith.mulf %sub3A_61, %mul3A_63 : vector<1024x1xf32>
    %add3A_65 = arith.addf %mul3A_27, %mul3A_64 : vector<1024x1xf32>
    %sub3A_66 = arith.constant 1.000000e+00 : f32
    %sub3A_67 = vector.broadcast %sub3A_66 : f32 to vector<1024x1xf32>
    %sub3A_68 = arith.subf %mul3A_44, %sub3A_67 : vector<1024x1xf32>
    %mul3A_69 = arith.constant 5.000000e-01 : f32
    %mul3A_70 = vector.broadcast %mul3A_69 : f32 to vector<1024x1xf32>
    %mul3A_71 = arith.mulf %sub3A_68, %mul3A_70 : vector<1024x1xf32>
    %add3A_72 = arith.addf %mul3A_31, %mul3A_71 : vector<1024x1xf32>
    %sub3A_73 = arith.subf %add3A_65, %sub3A_51 : vector<1024x1xf32>
    %add3A_74 = arith.constant 1.000000e+00 : f32
    %add3A_75 = vector.broadcast %add3A_74 : f32 to vector<1024x1xf32>
    %add3A_76 = arith.addf %sub3A_73, %add3A_75 : vector<1024x1xf32>
    %div3A = arith.constant 1.600000e+01 : f32
    %div3A_77 = vector.broadcast %div3A : f32 to vector<1024x1xf32>
    %div3A_78 = arith.divf %div3A_77, %add3A_76 : vector<1024x1xf32>
    %sub3A_79 = arith.subf %add3A_72, %sub3A_58 : vector<1024x1xf32>
    %add3A_80 = arith.constant 1.000000e+00 : f32
    %add3A_81 = vector.broadcast %add3A_80 : f32 to vector<1024x1xf32>
    %add3A_82 = arith.addf %sub3A_79, %add3A_81 : vector<1024x1xf32>
    %div3A_83 = arith.constant 1.600000e+01 : f32
    %div3A_84 = vector.broadcast %div3A_83 : f32 to vector<1024x1xf32>
    %div3A_85 = arith.divf %div3A_84, %add3A_82 : vector<1024x1xf32>
    %sub3A_86 = arith.subf %reshape3A_12, %sub3A_51 : vector<1024x1xf32>
    %mul3A_87 = arith.mulf %sub3A_86, %div3A_78 : vector<1024x1xf32>
    %sub3A_88 = arith.subf %reshape3A_17, %sub3A_58 : vector<1024x1xf32>
    %mul3A_89 = arith.mulf %sub3A_88, %div3A_85 : vector<1024x1xf32>
    %iota3A = tpu.iota {dimensions = array<i32: 1>} : vector<1024x256xi32>
    %jit3A = arith.constant 16 : i32
    %eq3A = arith.constant 0 : i32
    %eq3A_90 = arith.cmpi eq, %jit3A, %eq3A : i32
    %jit3A_91 = arith.constant 1 : i32
    %select_n3A = arith.select %eq3A_90, %jit3A_91, %jit3A : i32
    %rem3A = vector.broadcast %select_n3A : i32 to vector<1024x256xi32>
    %rem3A_92 = arith.remsi %iota3A, %rem3A : vector<1024x256xi32>
    %ne3A = arith.constant 0 : i32
    %ne3A_93 = vector.broadcast %ne3A : i32 to vector<1024x256xi32>
    %ne3A_94 = arith.cmpi ne, %rem3A_92, %ne3A_93 : vector<1024x256xi32>
    %lt3A = arith.constant 0 : i32
    %lt3A_95 = vector.broadcast %lt3A : i32 to vector<1024x256xi32>
    %lt3A_96 = arith.cmpi slt, %rem3A_92, %lt3A_95 : vector<1024x256xi32>
    %lt3A_97 = arith.constant 0 : i32
    %lt3A_98 = arith.cmpi slt, %select_n3A, %lt3A_97 : i32
    %ne3A_99 = vector.broadcast %lt3A_98 : i1 to vector<1024x256xi1>
    %ne3A_100 = vector.broadcast %ne3A_99 : vector<1024x256xi1> to vector<1024x256xi1>
    %ne3A_101 = arith.xori %lt3A_96, %ne3A_100 : vector<1024x256xi1>
    %and3A = arith.andi %ne3A_101, %ne3A_94 : vector<1024x256xi1>
    %add3A_102 = vector.broadcast %select_n3A : i32 to vector<1024x256xi32>
    %add3A_103 = arith.addi %rem3A_92, %add3A_102 : vector<1024x256xi32>
    %select_n3A_104 = arith.select %and3A, %add3A_103, %rem3A_92 : vector<1024x256xi1>, vector<1024x256xi32>
    %convert_element_type3A = arith.sitofp %select_n3A_104 : vector<1024x256xi32> to vector<1024x256xf32>
    %jit3A_105 = arith.constant 16 : i32
    %div3A_106 = vector.broadcast %jit3A_105 : i32 to vector<1024x256xi32>
    %div3A_107 = arith.divsi %iota3A, %div3A_106 : vector<1024x256xi32>
    %sign3A = arith.constant 0 : i32
    %sign3A_108 = vector.broadcast %sign3A : i32 to vector<1024x256xi32>
    %sign3A_109 = arith.cmpi sgt, %iota3A, %sign3A_108 : vector<1024x256xi32>
    %sign3A_110 = arith.extui %sign3A_109 : vector<1024x256xi1> to vector<1024x256xi32>
    %sign3A_111 = arith.constant 0 : i32
    %sign3A_112 = vector.broadcast %sign3A_111 : i32 to vector<1024x256xi32>
    %sign3A_113 = arith.cmpi slt, %iota3A, %sign3A_112 : vector<1024x256xi32>
    %sign3A_114 = arith.extui %sign3A_113 : vector<1024x256xi1> to vector<1024x256xi32>
    %sign3A_115 = arith.subi %sign3A_110, %sign3A_114 : vector<1024x256xi32>
    %sign3A_116 = arith.constant 0 : i32
    %sign3A_117 = arith.cmpi sgt, %jit3A_105, %sign3A_116 : i32
    %sign3A_118 = arith.extui %sign3A_117 : i1 to i32
    %sign3A_119 = arith.constant 0 : i32
    %sign3A_120 = arith.cmpi slt, %jit3A_105, %sign3A_119 : i32
    %sign3A_121 = arith.extui %sign3A_120 : i1 to i32
    %sign3A_122 = arith.subi %sign3A_118, %sign3A_121 : i32
    %ne3A_123 = vector.broadcast %sign3A_122 : i32 to vector<1024x256xi32>
    %ne3A_124 = arith.cmpi ne, %sign3A_115, %ne3A_123 : vector<1024x256xi32>
    %rem3A_125 = vector.broadcast %jit3A_105 : i32 to vector<1024x256xi32>
    %rem3A_126 = arith.remsi %iota3A, %rem3A_125 : vector<1024x256xi32>
    %ne3A_127 = arith.constant 0 : i32
    %ne3A_128 = vector.broadcast %ne3A_127 : i32 to vector<1024x256xi32>
    %ne3A_129 = arith.cmpi ne, %rem3A_126, %ne3A_128 : vector<1024x256xi32>
    %and3A_130 = arith.andi %ne3A_124, %ne3A_129 : vector<1024x256xi1>
    %sub3A_131 = arith.constant 1 : i32
    %sub3A_132 = vector.broadcast %sub3A_131 : i32 to vector<1024x256xi32>
    %sub3A_133 = arith.subi %div3A_107, %sub3A_132 : vector<1024x256xi32>
    %select_n3A_134 = arith.select %and3A_130, %sub3A_133, %div3A_107 : vector<1024x256xi1>, vector<1024x256xi32>
    %convert_element_type3A_135 = arith.sitofp %select_n3A_134 : vector<1024x256xi32> to vector<1024x256xf32>
    %add3A_136 = arith.constant 5.000000e-01 : f32
    %add3A_137 = vector.broadcast %add3A_136 : f32 to vector<1024x256xf32>
    %add3A_138 = arith.addf %convert_element_type3A, %add3A_137 : vector<1024x256xf32>
    %sub3A_139 = vector.broadcast %mul3A_87 : vector<1024x1xf32> to vector<1024x256xf32>
    %sub3A_140 = arith.subf %add3A_138, %sub3A_139 : vector<1024x256xf32>
    %add3A_141 = arith.constant 5.000000e-01 : f32
    %add3A_142 = vector.broadcast %add3A_141 : f32 to vector<1024x256xf32>
    %add3A_143 = arith.addf %convert_element_type3A_135, %add3A_142 : vector<1024x256xf32>
    %sub3A_144 = vector.broadcast %mul3A_89 : vector<1024x1xf32> to vector<1024x256xf32>
    %sub3A_145 = arith.subf %add3A_143, %sub3A_144 : vector<1024x256xf32>
    %mul3A_146 = arith.mulf %sub3A_140, %sub3A_140 : vector<1024x256xf32>
    %mul3A_147 = arith.constant 0.1953125 : f32
    %mul3A_148 = vector.broadcast %mul3A_147 : f32 to vector<1024x256xf32>
    %mul3A_149 = arith.mulf %mul3A_146, %mul3A_148 : vector<1024x256xf32>
    %mul3A_150 = arith.mulf %sub3A_145, %sub3A_145 : vector<1024x256xf32>
    %mul3A_151 = arith.constant 0.1953125 : f32
    %mul3A_152 = vector.broadcast %mul3A_151 : f32 to vector<1024x256xf32>
    %mul3A_153 = arith.mulf %mul3A_150, %mul3A_152 : vector<1024x256xf32>
    %add3A_154 = arith.addf %mul3A_149, %mul3A_153 : vector<1024x256xf32>
    %neg3A = arith.constant 0.000000e+00 : f32
    %neg3A_155 = vector.broadcast %neg3A : f32 to vector<1024x256xf32>
    %neg3A_156 = arith.subf %neg3A_155, %add3A_154 : vector<1024x256xf32>
    %exp3A = math.exp %neg3A_156 : vector<1024x256xf32>
    %le3A = arith.constant 0.510825574 : f32
    %le3A_157 = vector.broadcast %le3A : f32 to vector<1024x256xf32>
    %le3A_158 = arith.cmpf ole, %add3A_154, %le3A_157 : vector<1024x256xf32>
    %ne3A_159 = arith.constant 0.000000e+00 : f32
    %ne3A_160 = vector.broadcast %ne3A_159 : f32 to vector<1024x1xf32>
    %ne3A_161 = arith.cmpf one, %reshape3A_22, %ne3A_160 : vector<1024x1xf32>
    %gt3A = arith.constant 0 : i32
    %gt3A_162 = vector.broadcast %gt3A : i32 to vector<1024x1xi32>
    %gt3A_163 = arith.cmpi sgt, %reshape3A_7, %gt3A_162 : vector<1024x1xi32>
    %and3A_164 = arith.andi %gt3A_163, %ne3A_161 : vector<1024x1xi1>
    %reduce_or3A = arith.constant 1.000000e+00 : f32
    %reduce_or3A_165 = arith.constant 0.000000e+00 : f32
    %reduce_or3A_166 = vector.broadcast %reduce_or3A : f32 to vector<1024x256xf32>
    %reduce_or3A_167 = vector.broadcast %reduce_or3A_165 : f32 to vector<1024x256xf32>
    %reduce_or3A_168 = arith.select %le3A_158, %reduce_or3A_166, %reduce_or3A_167 : vector<1024x256xi1>, vector<1024x256xf32>
    %reduce_or3A_169 = arith.constant dense<0xFF800000> : vector<1024xf32>
    %reduce_or3A_170 = vector.multi_reduction <maximumf>, %reduce_or3A_168, %reduce_or3A_169 [1] : vector<1024x256xf32> to vector<1024xf32>
    %reduce_or3A_171 = arith.constant 0.000000e+00 : f32
    %reduce_or3A_172 = vector.broadcast %reduce_or3A_171 : f32 to vector<1024xf32>
    %reduce_or3A_173 = arith.cmpf ogt, %reduce_or3A_170, %reduce_or3A_172 : vector<1024xf32>
    %broadcast_in_dim3A = vector.shape_cast %reduce_or3A_173 : vector<1024xi1> to vector<1024x1xi1>
    %and3A_174 = arith.andi %and3A_164, %broadcast_in_dim3A : vector<1024x1xi1>
    %jit3A_175 = arith.constant -1.000000e+00 : f32
    %broadcast_in_dim3A_176 = vector.shape_cast %and3A_174 : vector<1024x1xi1> to vector<1024x1xi1>
    %broadcast_in_dim3A_177 = vector.broadcast %broadcast_in_dim3A_176 : vector<1024x1xi1> to vector<1024x256xi1>
    %broadcast_in_dim3A_178 = vector.broadcast %jit3A_175 : f32 to vector<1024x256xf32>
    %select_n3A_179 = arith.select %broadcast_in_dim3A_177, %exp3A, %broadcast_in_dim3A_178 : vector<1024x256xi1>, vector<1024x256xf32>
    %reshape3A_180 = vector.shape_cast %select_n3A_179 : vector<1024x256xf32> to vector<2x512x256xf32>
    %swap3A = arith.constant 0 : index
    %swap3A_181 = arith.constant 0 : index
    %swap3A_182 = arith.constant 0 : index
    %swap3A_183 = vector.load %arg6[%swap3A, %swap3A_181, %swap3A_182] : memref<2x512x256xf32, #tpu.memory_space<vmem>>, vector<2x512x256xf32>
    tpu.vector_store %arg6[%swap3A, %swap3A_181, %swap3A_182], %reshape3A_180 {strides = array<i32>} : memref<2x512x256xf32, #tpu.memory_space<vmem>>, vector<2x512x256xf32>,
    %jit3A_184 = arith.constant 1.000000e+00 : f32
    %jit3A_185 = arith.constant 0.000000e+00 : f32
    %broadcast_in_dim3A_186 = vector.broadcast %jit3A_184 : f32 to vector<1024x1xf32>
    %broadcast_in_dim3A_187 = vector.broadcast %jit3A_185 : f32 to vector<1024x1xf32>
    %select_n3A_188 = arith.select %and3A_174, %broadcast_in_dim3A_186, %broadcast_in_dim3A_187 : vector<1024x1xi1>, vector<1024x1xf32>
    %broadcast_in_dim3A_189 = arith.constant 1.000000e+00 : f32
    %broadcast_in_dim3A_190 = vector.broadcast %broadcast_in_dim3A_189 : f32 to vector<1024x256xf32>
    %mul3A_191 = vector.broadcast %select_n3A_188 : vector<1024x1xf32> to vector<1024x256xf32>
    %mul3A_192 = arith.mulf %mul3A_191, %broadcast_in_dim3A_190 : vector<1024x256xf32>
    %reshape3A_193 = vector.shape_cast %mul3A_192 : vector<1024x256xf32> to vector<2x512x256xf32>
    %swap3A_194 = arith.constant 0 : index
    %swap3A_195 = arith.constant 0 : index
    %swap3A_196 = arith.constant 0 : index
    %swap3A_197 = vector.load %arg7[%swap3A_194, %swap3A_195, %swap3A_196] : memref<2x512x256xf32, #tpu.memory_space<vmem>>, vector<2x512x256xf32>
    tpu.vector_store %arg7[%swap3A_194, %swap3A_195, %swap3A_196], %reshape3A_193 {strides = array<i32>} : memref<2x512x256xf32, #tpu.memory_space<vmem>>, vector<2x512x256xf32>,
    %and3A_198 = arith.andi %gt3A_163, %ne3A_161 : vector<1024x1xi1>
    %and3A_199 = vector.broadcast %and3A_198 : vector<1024x1xi1> to vector<1024x256xi1>
    %and3A_200 = arith.andi %and3A_199, %le3A_158 : vector<1024x256xi1>
    %sub3A_201 = vector.broadcast %mul3A_87 : vector<1024x1xf32> to vector<1024x256xf32>
    %sub3A_202 = arith.subf %sub3A_201, %convert_element_type3A : vector<1024x256xf32>
    %div3A_203 = arith.constant 1.000000e+00 : f32
    %div3A_204 = vector.broadcast %div3A_203 : f32 to vector<1024x256xf32>
    %div3A_205 = arith.divf %sub3A_202, %div3A_204 : vector<1024x256xf32>
    %sub3A_206 = vector.broadcast %mul3A_89 : vector<1024x1xf32> to vector<1024x256xf32>
    %sub3A_207 = arith.subf %sub3A_206, %convert_element_type3A_135 : vector<1024x256xf32>
    %div3A_208 = arith.constant 1.000000e+00 : f32
    %div3A_209 = vector.broadcast %div3A_208 : f32 to vector<1024x256xf32>
    %div3A_210 = arith.divf %sub3A_207, %div3A_209 : vector<1024x256xf32>
    %broadcast_in_dim3A_211 = arith.constant 0.000000e+00 : f32
    %broadcast_in_dim3A_212 = vector.broadcast %broadcast_in_dim3A_211 : f32 to vector<1024x256xf32>
    %select_n3A_213 = arith.select %and3A_200, %div3A_205, %broadcast_in_dim3A_212 : vector<1024x256xi1>, vector<1024x256xf32>
    %select_n3A_214 = arith.select %and3A_200, %div3A_210, %broadcast_in_dim3A_212 : vector<1024x256xi1>, vector<1024x256xf32>
    %concatenate3A = tpu.concatenate %select_n3A_213, %select_n3A_214 in 1 : vector<1024x256xf32>, vector<1024x256xf32> -> vector<1024x512xf32>
    %reshape3A_215 = vector.shape_cast %concatenate3A : vector<1024x512xf32> to vector<2x512x512xf32>
    %swap3A_216 = arith.constant 0 : index
    %swap3A_217 = arith.constant 0 : index
    %swap3A_218 = arith.constant 0 : index
    %swap3A_219 = vector.load %arg8[%swap3A_216, %swap3A_217, %swap3A_218] : memref<2x512x512xf32, #tpu.memory_space<vmem>>, vector<2x512x512xf32>
    tpu.vector_store %arg8[%swap3A_216, %swap3A_217, %swap3A_218], %reshape3A_215 {strides = array<i32>} : memref<2x512x512xf32, #tpu.memory_space<vmem>>, vector<2x512x512xf32>,
    %jit3A_220 = arith.constant 1.000000e+00 : f32
    %jit3A_221 = arith.constant 0.000000e+00 : f32
    %broadcast_in_dim3A_222 = vector.broadcast %jit3A_220 : f32 to vector<1024x256xf32>
    %broadcast_in_dim3A_223 = vector.broadcast %jit3A_221 : f32 to vector<1024x256xf32>
    %select_n3A_224 = arith.select %and3A_200, %broadcast_in_dim3A_222, %broadcast_in_dim3A_223 : vector<1024x256xi1>, vector<1024x256xf32>
    %concatenate3A_225 = tpu.concatenate %select_n3A_224, %select_n3A_224 in 1 : vector<1024x256xf32>, vector<1024x256xf32> -> vector<1024x512xf32>
    %reshape3A_226 = vector.shape_cast %concatenate3A_225 : vector<1024x512xf32> to vector<2x512x512xf32>
    %swap3A_227 = arith.constant 0 : index
    %swap3A_228 = arith.constant 0 : index
    %swap3A_229 = arith.constant 0 : index
    %swap3A_230 = vector.load %arg9[%swap3A_227, %swap3A_228, %swap3A_229] : memref<2x512x512xf32, #tpu.memory_space<vmem>>, vector<2x512x512xf32>
    tpu.vector_store %arg9[%swap3A_227, %swap3A_228, %swap3A_229], %reshape3A_226 {strides = array<i32>} : memref<2x512x512xf32, #tpu.memory_space<vmem>>, vector<2x512x512xf32>,
    return
  }
  func.func @transform_0(%arg0: i32) -> (i32, i32, i32) {
    %c0_i32 = arith.constant 0 : i32
    %c0_i32_0 = arith.constant 0 : i32
    %c0_i32_1 = arith.constant 0 : i32
    return %arg0, %c0_i32, %c0_i32_0 : i32, i32, i32
  }
  func.func @transform_1(%arg0: i32) -> (i32, i32, i32) {
    %c0_i32 = arith.constant 0 : i32
    %c0_i32_0 = arith.constant 0 : i32
    %c0_i32_1 = arith.constant 0 : i32
    return %arg0, %c0_i32, %c0_i32_0 : i32, i32, i32
  }
  func.func @transform_2(%arg0: i32) -> (i32, i32, i32) {
    %c0_i32 = arith.constant 0 : i32
    %c0_i32_0 = arith.constant 0 : i32
    %c0_i32_1 = arith.constant 0 : i32
    return %arg0, %c0_i32, %c0_i32_0 : i32, i32, i32
  }
  func.func @transform_3(%arg0: i32) -> (i32, i32, i32) {
    %c0_i32 = arith.constant 0 : i32
    %c0_i32_0 = arith.constant 0 : i32
    %c0_i32_1 = arith.constant 0 : i32
    return %arg0, %c0_i32, %c0_i32_0 : i32, i32, i32
  }
  func.func @transform_4(%arg0: i32) -> (i32, i32, i32) {
    %c0_i32 = arith.constant 0 : i32
    %c0_i32_0 = arith.constant 0 : i32
    %c0_i32_1 = arith.constant 0 : i32
    return %arg0, %c0_i32, %c0_i32_0 : i32, i32, i32
  }
  func.func @transform_5(%arg0: i32) -> (i32, i32, i32) {
    %c0_i32 = arith.constant 0 : i32
    %c0_i32_0 = arith.constant 0 : i32
    %c0_i32_1 = arith.constant 0 : i32
    return %arg0, %c0_i32, %c0_i32_0 : i32, i32, i32
  }
  func.func @transform_6(%arg0: i32) -> (i32, i32, i32) {
    %c0_i32 = arith.constant 0 : i32
    %c0_i32_0 = arith.constant 0 : i32
    %c0_i32_1 = arith.constant 0 : i32
    return %arg0, %c0_i32, %c0_i32_0 : i32, i32, i32
  }
  func.func @transform_7(%arg0: i32) -> (i32, i32, i32) {
    %c0_i32 = arith.constant 0 : i32
    %c0_i32_0 = arith.constant 0 : i32
    %c0_i32_1 = arith.constant 0 : i32
    return %arg0, %c0_i32, %c0_i32_0 : i32, i32, i32
  }
  func.func @transform_8(%arg0: i32) -> (i32, i32, i32) {
    %c0_i32 = arith.constant 0 : i32
    %c0_i32_0 = arith.constant 0 : i32
    %c0_i32_1 = arith.constant 0 : i32
    return %arg0, %c0_i32, %c0_i32_0 : i32, i32, i32
  }
}

</mosaic_0001>

<sc_bundles>
// kernel: kernel.4.cloned.1.call-start
scs
__scs_entry_jumppad:
0x0: {  	(pc) =	sbr.rel $0x88, $3  }
0x1: {  	(tag) =	ssettag $0x0;
	lr =	simm.s32 $0x1  }
0x2: {  	[smem:$0x3F9D] =	sst lr;
	_ =	strace $0xD0000000  }
0x3: {  	_ = 	snop  }
0x4: {  	_ = 	snop  }
0x5: {  	_ = 	snop  }
0x6: {  	_ = 	snop  }
0x7: {  	_ = 	snop  }
__scs_overlays_trampoline_lowered:
0x8: {  	[smem:$0x3FAC] =	sst s0  }
0x9: {  	[smem:$0x3FAD] =	sst s1  }
0xa: {  	[smem:$0x3FAE] =	sst s2  }
0xb: {  	[smem:$0x3FAF] =	sst s3  }
0xc: {  	[smem:$0x3FB0] =	sst s4  }
0xd: {  	[smem:$0x3FB1] =	sst s5  }
0xe: {  	[smem:$0x3FB2] =	sst s6  }
0xf: {  	[smem:$0x3FB3] =	sst s7  }
0x10: {  	[smem:$0x3FB4] =	sst s8  }
0x11: {  	[smem:$0x3FB5] =	sst s9;
	s0 =	simm.s32 @!p0 $0x0  }
0x12: {  	s1 =	sld [smem:$0x3F9B];
	s0 =	simm.s32 @p0 $0x1  }
0x13: {  	[smem:$0x3FB6] =	sst s0;
	s0 =	simm.s32 @!p1 $0x0  }
0x14: {  	s2 =	sld [smem:$0x3F9A];
	s0 =	simm.s32 @p1 $0x1  }
0x15: {  	[smem:$0x3FB7] =	sst s0;
	s0 =	simm.s32 @!p2 $0x0  }
0x16: {  	s3 =	sld [smem:$0x3FDB];
	s0 =	simm.s32 @p2 $0x1  }
0x17: {  	s4 =	simm.s32 $0x1BF5;
	[smem:$0x3FB9] =	sst s0  }
0x18: {  	s0 =	sld [smem:$0x3F9C];
	_ =	swait.ge [sflag:s4], $0x0  }
0x19: {  	s7 =	sld [smem:$0x3F9D]  }
0x1a: {  	s8 =	sadd.s32 $0xFFFFE003, lr  }
0x1b: {  	s9 =	sadd.s32 $0xFFFFFEF7, lr;
	s5 =	simm.s32 $0xFFFFFFFF;
	p2 =	slt.u32 s8, $0xFFFFF086  }
0x1c: {  	p1 =	slt.u32 s9, $0xF7A;
	s5 =	simm.s32 @!p2 $0x0  }
0x1d: {  	s5 =	simm.s32 @p1 $0x1;
	p0 =	seq.s32 s7, s2  }
0x1e: {  	s7 =	smul.u32 @!p0 $0xF7A, s2;
	p2 =	seq.s32 @!p0 s5, $0x0  }
0x1f: {  	s9 =	smul.u32 $0xF7A, s1;
	s8 =	simm.s32 @!p0 $0x1BF5;
	p2 =	por !p2, p0  }
0x20: {  	[sflag:s8] =	ssyncset.s32 @!p0 $0xFFFFF086;
	s6 =	sadd.s32 @!p0 s3, s7;
	s7 =	simm.s32 @!p0 $0x108  }
0x21: {  	s3 =	sadd.s32 s3, s9;
	s6 =	sadd.s32 @!p0 $0x88, s6;
	s7 =	simm.s32 @p2 $0x1082  }
0x22: {  	[simem:s7], [sflag:s8] =	dma.local @!p0 [hbm:s6], $0xF7A  }
0x23: {  	s9 =	sor.u32 $0xD0000000, s2;
	s6 =	simm.s32 $0x108;
	_ =	swait.ge @!p0 [sflag:s8], $0x0  }
0x24: {  	s3 =	sadd.s32 $0x88, s3;
	s6 =	simm.s32 @!p1 $0x1082;
	[sflag:s4] =	ssyncset.s32 $0xFFFFF086  }
0x25: {  	[simem:s6], [sflag:s4] =	dma.local [hbm:s3], $0xF7A  }
0x26: {  	[smem:$0x3F9D] =	sst s1;
	(tag) =	ssettag s2;
	_ =	strace s9  }
0x27: {  	s1 =	sld [smem:$0x3FAD]  }
0x28: {  	s2 =	sld [smem:$0x3FAE]  }
0x29: {  	s4 =	sld [smem:$0x3FB0]  }
0x2a: {  	p0 =	seq.s32 s5, $0x0;
	s5 =	sld [smem:$0x3FB1]  }
0x2b: {  	s6 =	sld [smem:$0x3FB2]  }
0x2c: {  	s7 =	sld [smem:$0x3FB3]  }
0x2d: {  	s3 =	simm.s32 $0x108;
	s8 =	sld [smem:$0x3FB4]  }
0x2e: {  	s3 =	simm.s32 @!p0 $0x1082;
	s9 =	sld [smem:$0x3FB5]  }
0x2f: {  	lr =	sadd.s32 s0, s3;
	s0 =	sld [smem:$0x3FAC]  }
0x30: {  	s3 =	sld [smem:$0x3FAF]  }
0x31: {  	[smem:$0x3FB8] =	sst s10  }
0x32: {  	s10 =	sld [smem:$0x3FB6];
	_ =	sdelay $0x3  }
0x33: {  	p0 =	seq.s32 s10, $0x1;
	s10 =	sld [smem:$0x3FB8];
	_ =	sdelay $0x3  }
0x34: {  	[smem:$0x3FB8] =	sst s10  }
0x35: {  	s10 =	sld [smem:$0x3FB7];
	_ =	sdelay $0x3  }
0x36: {  	p1 =	seq.s32 s10, $0x1;
	s10 =	sld [smem:$0x3FB8];
	_ =	sdelay $0x3  }
0x37: {  	[smem:$0x3FB8] =	sst s10  }
0x38: {  	s10 =	sld [smem:$0x3FB9]  }
0x39: {  	_ = 	snop;
	(pc) =	sbr.ind lr, $3  }
0x3a: {  	_ = 	snop  }
0x3b: {  	_ = 	snop  }
0x3c: {  	p2 =	seq.s32 s10, $0x1;
	s10 =	sld [smem:$0x3FB8]  }
0x3d: {  	_ =	shalt  }
0x3e: {  	_ =	shalt  }
0x3f: {  	_ =	shalt  }
0x40: {  	_ =	shalt  }
0x41: {  	_ =	shalt  }
0x42: {  	_ =	shalt  }
0x43: {  	_ =	shalt  }
0x44: {  	_ =	shalt  }
0x45: {  	_ =	shalt  }
0x46: {  	_ =	shalt  }
0x47: {  	_ =	shalt  }
0x48: {  	_ =	shalt  }
0x49: {  	_ =	shalt  }
0x4a: {  	_ =	shalt  }
0x4b: {  	_ =	shalt  }
0x4c: {  	_ =	shalt  }
0x4d: {  	_ =	shalt  }
0x4e: {  	_ =	shalt  }
0x4f: {  	_ =	shalt  }
0x50: {  	_ =	shalt  }
0x51: {  	_ =	shalt  }
0x52: {  	_ =	shalt  }
0x53: {  	_ =	shalt  }
0x54: {  	_ =	shalt  }
0x55: {  	_ =	shalt  }
0x56: {  	_ =	shalt  }
0x57: {  	_ =	shalt  }
0x58: {  	_ =	shalt  }
0x59: {  	_ =	shalt  }
0x5a: {  	_ =	shalt  }
0x5b: {  	_ =	shalt  }
0x5c: {  	_ =	shalt  }
0x5d: {  	_ =	shalt  }
0x5e: {  	_ =	shalt  }
0x5f: {  	_ =	shalt  }
0x60: {  	_ =	shalt  }
0x61: {  	_ =	shalt  }
0x62: {  	_ =	shalt  }
0x63: {  	_ =	shalt  }
0x64: {  	_ =	shalt  }
0x65: {  	_ =	shalt  }
0x66: {  	_ =	shalt  }
0x67: {  	_ =	shalt  }
0x68: {  	_ =	shalt  }
0x69: {  	_ =	shalt  }
0x6a: {  	_ =	shalt  }
0x6b: {  	_ =	shalt  }
0x6c: {  	_ =	shalt  }
0x6d: {  	_ =	shalt  }
0x6e: {  	_ =	shalt  }
0x6f: {  	_ =	shalt  }
0x70: {  	_ =	shalt  }
0x71: {  	_ =	shalt  }
0x72: {  	_ =	shalt  }
0x73: {  	_ =	shalt  }
0x74: {  	_ =	shalt  }
0x75: {  	_ =	shalt  }
0x76: {  	_ =	shalt  }
0x77: {  	_ =	shalt  }
0x78: {  	_ =	shalt  }
0x79: {  	_ =	shalt  }
0x7a: {  	_ =	shalt  }
0x7b: {  	_ =	shalt  }
0x7c: {  	_ =	shalt  }
0x7d: {  	_ =	shalt  }
0x7e: {  	_ =	shalt  }
0x7f: {  	_ =	shalt  }
0x80: {  	_ =	shalt  }
0x81: {  	_ =	shalt  }
0x82: {  	_ =	shalt  }
0x83: {  	_ =	shalt  }
0x84: {  	_ =	shalt  }
0x85: {  	_ =	shalt  }
0x86: {  	_ =	shalt  }
0x87: {  	_ =	shalt  }
.Lfunc_end0:
.L_simem_size_0:
called_computation_lowered:
.L_overlay_start_0:
0x88: {  	s2 =	sld [smem:$0x3FD9]  }
0x89: {  	s3 =	sld [smem:$0x3FFE];
	_ =	sdelay $0x1  }
0x8a: {  	s1 =	srdreg.scid  }
0x8b: {  	s0 =	sand.u32 $0x1, s1  }
0x8c: {  	s14 =	sshll.u32 s0, $0xA;
	s2 =	sadd.s32 s3, s2  }
0x8d: {  	s2 =	sadd.s32 s2, s14  }
0x8e: {  	[smem:$0x3FC4] =	sst s2  }
0x8f: {  	_ = 	snop  }
0x90: {  	s2 =	sld [smem:$0x3FD0];
	_ =	sdelay $0x2  }
0x91: {  	s15 =	simm.s32 $0xA;
	s4 =	simm.s32 $0x10  }
0x92: {  	[smem:s4], [sflag:s15] =	dma.local [hbm:s2], $0x1  }
0x93: {  	_ =	swait.eq [sflag:s15], $0x1  }
0x94: {  	s16 =	sld [smem:$0x10]  }
0x95: {  	s17 =	sld [smem:$0x11];
	[sflag:s15] =	ssyncset.done $0x0  }
0x96: {  	s5 =	sld [smem:$0x12];
	[sflag:s15] =	ssyncadd.s32 $0xFFFFFFFF  }
0x97: {  	s18 =	sld [smem:$0x13];
	(tm) =	ssettm $0x1  }
0x98: {  	s6 =	sld [smem:$0x3FFB];
	_ =	sdelay $0x3  }
0x99: {  	_ =	strace s6  }
0x9a: {  	s6 =	sld [smem:$0x3FFC];
	_ =	sdelay $0x3  }
0x9b: {  	_ =	strace s6  }
0x9c: {  	s6 =	sld [smem:$0x3FFD];
	_ =	sdelay $0x3  }
0x9d: {  	_ =	strace s6  }
0x9e: {  	_ =	strace $0x8FFFFFFF  }
0x9f: {  	s19 =	sld [smem:$0x3FDB];
	_ =	sdelay $0x1  }
0xa0: {  	s7 =	simm.s32 $_scs_section_size  }
0xa1: {  	s8 =	simm.s32 $_size__tile_overlayer_lowered;
	s9 =	simm.s32 $_tile_overlayer_lowered  }
0xa2: {  	s22 =	simm.s32 $0x1BFF;
	s21 =	sshll.u32 s9, $0x1;
	s6 =	sadd.s32 s7, s19  }
0xa3: {  	s10 =	simm.s32 $0x0;
	s20 =	sshll.u32 s8, $0x1;
	s8 =	sadd.s32 s21, s6  }
0xa4: {  	[timem:s10], [sflag:s22] =	dma.local [hbm:s8], s20  }
0xa5: {  	_ =	swait.ge [sflag:s22], s20  }
0xa6: {  	s7 =	ssub.s32 $0x0, s20;
	[sflag:s22] =	ssyncset.done $0x0  }
0xa7: {  	[sflag:s22] =	ssyncadd.s32 s7;
	_ =	sdelay $0x1  }
0xa8: {  	s23 =	simm.s32 $0x1B8B  }
0xa9: {  	_ =	swait.ge [sflag:s23], $0x1  }
0xaa: {  	[sflag:s23] =	ssyncset.done $0x0  }
0xab: {  	s25 =	simm.s32 $0x1B8E;
	s24 =	sld [smem:$0x3FFE];
	[sflag:s23] =	ssyncadd.s32 $0xFFFFFFFF  }
0xac: {  	s26 =	simm.s32 $execute0_lowered;
	[smem:$0x3FD2] =	sst s25  }
0xad: {  	s8 =	sshll.u32 s26, $0x1;
	_ =	strace $0x80000046;
	[dreg:$0x1] =	wrdreg $0xFFFFFFFF  }
0xae: {  	s28 =	simm.s32 $_size_execute0_lowered;
	s6 =	sadd.s32 s6, s8;
	[dreg:$0x0] =	wrdreg $0x0  }
0xaf: {  	s8 =	sshll.u32 s28, $0x1;
	[dreg:$0x2] =	wrdreg s6  }
0xb0: {  	[dreg:$0x3] =	wrdreg s8  }
0xb1: {  	[dreg:$0x4] =	wrdreg $0xC0  }
0xb2: {  	_ =	task [dreg:s10], $0x5FFFF  }
0xb3: {  	[dreg:$0x1] =	wrdreg $0xFFFFFFFF  }
0xb4: {  	[dreg:$0x0] =	wrdreg $0x60  }
0xb5: {  	[dreg:$0x2] =	wrdreg s17  }
0xb6: {  	[dreg:$0x3] =	wrdreg s24  }
0xb7: {  	[dreg:$0x4] =	wrdreg s16  }
0xb8: {  	[dreg:$0x5] =	wrdreg s18  }
0xb9: {  	[dreg:$0x6] =	wrdreg s5  }
0xba: {  	[dreg:$0x7] =	wrdreg $0x9  }
0xbb: {  	_ =	task.clear_ibuf [dreg:s10], $0x8FFFF;
	_ =	strace $0x90000046  }
0xbc: {  	s29 =	simm.s32 $0x9;
	_ =	strace $0x80000048  }
0xbd: {  	_ =	swait.ge [sflag:s29], $0x1  }
0xbe: {  	[sflag:s29] =	ssyncadd.s32 $0xFFFFFFFF  }
0xbf: {  	_ =	strace $0x90000048  }
0xc0: {  	_ =	sfence  }
0xc1: {  	s30 =	sld [smem:$0x0];
	_ =	sdelay $0x2  }
0xc2: {  	s31 =	sshll.u32 s1, $0xD;
	s1 =	sshrl.u32 s1, $0x2  }
0xc3: {  	s3 =	sand.u32 $0x4000, s31;
	s1 =	sadd.s32 s1, s30  }
0xc4: {  	s0 =	sor.u32 s3, s0;
	s1 =	sshll.u32 s1, $0x11  }
0xc5: {  	s0 =	sor.u32 s1, s0  }
0xc6: {  	s0 =	sadd.s32 $0x8F2B, s0  }
0xc7: {  	[sflag:s0] =	ssyncadd.remote.s32 $0x1  }
0xc8: {  	_ =	sfence.sel $0xFFFF  }
0xc9: {  	[dreg:$0x0] =	wrdreg $0xFFFFFFFF;
	(pc) =	sbr.abs _section_cstart, $3  }
0xca: {  	[dreg:$0x1] =	wrdreg $0xFFFFFFFF  }
0xcb: {  	_ =	task.clear_ibuf [dreg:s10], $0x2FFFF;
	_ =	strace $0x9FFFFFFF  }
0xcc: {  	(tm) =	ssettm $0x7FFFFFFF  }
0xcd: {  	_ =	shalt  }
tec
execute0_lowered:
.L_overlay_start_1:
0x0: {  	(tag) =	ssettag $0x1  }
0x1: {  	s3 =	rddreg [dreg:$0x0]  }
0x2: {  	s9 =	rddreg [dreg:$0x1]  }
0x3: {  	s4 =	rddreg [dreg:$0x2]  }
0x4: {  	s7 =	rddreg [dreg:$0x3]  }
0x5: {  	s0 =	stileid.u32;
	s1 =	srdreg.scid  }
0x6: {  	s5 =	rddreg [dreg:$0x4];
	s11 =	sshll.u32 s0, $0x1;
	s6 =	sand.u32 $0x1, s1  }
0x7: {  	s2 =	simm.s32 $0x0;
	s1 =	rddreg [dreg:$0x5];
	s8 =	sor.u32 s6, s11  }
0x8: {  	[smem:$0x7FF] =	sst s2;
	s8 =	sshll.u32 s8, $0x3  }
0x9: {  	_ =	strace $0x80000047;
	s10 =	sadd.s32 s3, s8;
	s3 =	simm.s32 $0x1  }
0xa: {  	[tilespmem:s2], [sflag:$0x1] =	stream.linear.gather [hbm4b:s10+s2], $0x40, $0x38;
	[tilespmem:$0x380] =	vst v63  }
0xb: {  	s11 =	sand.u32 $0x18, s11;
	_ =	swait.ge [sflag:s3], $0x40  }
0xc: {  	s9 =	sadd.s32 s11, s9;
	[sflag:s3] =	ssyncset.done $0x0  }
0xd: {  	s12 =	simm.s32 $0x80;
	s11 =	sadd.s32 $0x1000, s9;
	[sflag:s3] =	ssyncadd.s32 $0xFFFFFFC0  }
0xe: {  	[tilespmem:s12], [sflag:$0x1] =	stream.linear.gather [hbm4b:s11+s2], $0x40, $0x38;
	[tilespmem:$0x380] =	vst v63  }
0xf: {  	_ =	swait.ge [sflag:s3], $0x40  }
0x10: {  	[sflag:s3] =	ssyncset.done $0x0  }
0x11: {  	s14 =	simm.s32 $0x100;
	s13 =	sadd.s32 $0xE00, s9;
	[sflag:s3] =	ssyncadd.s32 $0xFFFFFFC0  }
0x12: {  	[tilespmem:s14], [sflag:$0x1] =	stream.linear.gather [hbm4b:s13+s2], $0x40, $0x38;
	[tilespmem:$0x380] =	vst v63  }
0x13: {  	_ =	swait.ge [sflag:s3], $0x40  }
0x14: {  	[sflag:s3] =	ssyncset.done $0x0  }
0x15: {  	s16 =	simm.s32 $0x180;
	s15 =	sadd.s32 $0xC00, s9;
	[sflag:s3] =	ssyncadd.s32 $0xFFFFFFC0  }
0x16: {  	[tilespmem:s16], [sflag:$0x1] =	stream.linear.gather [hbm4b:s15+s2], $0x40, $0x38;
	[tilespmem:$0x380] =	vst v63  }
0x17: {  	_ =	swait.ge [sflag:s3], $0x40  }
0x18: {  	[sflag:s3] =	ssyncset.done $0x0  }
0x19: {  	[sflag:s3] =	ssyncadd.s32 $0xFFFFFFC0  }
0x1a: {  	v1 =	vld [tilespmem:$0x10]  }
0x1b: {  	v2 =	vld [tilespmem:$0x0]  }
0x1c: {  	v4 =	vld [tilespmem:$0x20]  }
0x1d: {  	v7 =	vld [tilespmem:$0x30]  }
0x1e: {  	v6 =	vld [tilespmem:$0x1A0]  }
0x1f: {  	v8 =	vld [tilespmem:$0x180]  }
0x20: {  	v3 =	vld [tilespmem:$0xB0]  }
0x21: {  	v9 =	vld [tilespmem:$0x190];
	v5 =	vshrl.u32 v1, $0x4;
	v16 =	vshrl.u32 v2, $0x4;
	v28 =	vshrl.u32 v4, $0x4  }
0x22: {  	v23 =	vld [tilespmem:$0x100];
	v14 =	vshrl.u32 v7, $0x4;
	v1 =	vand.u32 $0xF, v1;
	v12 =	vand.u32 $0xF, v2  }
0x23: {  	s6 =	ssub.s32 $0x2, s6;
	v20 =	vld [tilespmem:$0x130];
	v18 =	vand.u32 $0xF, v7;
	vm6 =	veq.s32 v28, $0x0;
	vm2 =	veq.s32 v28, $0x2  }
0x24: {  	s31 =	sshrl.u32 s6, $0x1;
	v0 =	vld [tilespmem:$0x1B0];
	vm3 =	veq.s32 v16, $0x2;
	vm1 =	veq.s32 v5, $0x2;
	vm0 =	veq.s32 v5, $0x3  }
0x25: {  	s9 =	ssub.s32 s6, s31;
	v10 =	vld [tilespmem:$0x110];
	vm10 =	veq.s32 v5, $0x0;
	vm4 =	veq.s32 v5, $0x1;
	v2 =	vperm.xlane v6, v1  }
0x26: {  	s17 =	smax.u32 s9, $0x1;
	v15 =	vld [tilespmem:$0x120];
	v5 =	vand.u32 $0xF, v4;
	v11 =	vperm.xlane v9, v12;
	v25 =	vperm.xlane v8, v1  }
0x27: {  	p0 =	sne.s32 s17, $0x1;
	v21 =	vld [tilespmem:$0x80];
	vm9 =	veq.s32 v14, $0x0;
	v4 =	vperm.xlane v9, v1;
	v13 =	vperm.xlane v3, v1  }
.Ltmp0:
0x28: {  	v19 =	vld [tilespmem:$0x90];
	vm8 =	veq.s32 v14, $0x2;
	v24 =	vperm.xlane v9, v18;
	v7 =	vperm.xlane v20, v1;
	(pc) =	sbr.rel @!p0 .LBB2_2-.Ltmp0, $4  }
0x29: {  	vm5 =	veq.s32 v14, $0x3;
	vm11 =	veq.s32 v14, $0x1;
	v14 =	vld [tilespmem:$0xA0];
	v22 =	vperm.xlane v23, v5  }
0x2a: {  	s6 =	sadd.s32 s4, s8;
	v17 =	vperm.xlane v6, v12;
	vm7 =	veq.s32 v28, $0x1;
	v27 =	vperm.xlane v10, v5  }
0x2b: {  	s4 =	sadd.s32 s7, s8;
	s5 =	sadd.s32 s5, s8;
	s8 =	simm.s32 $0x200;
	v26 =	vperm.xlane v9, v5;
	v9 =	vperm.xlane v0, v12;
	v29 =	vnsel vm6, $0x0, v22  }
0x2c: {  	s7 =	simm.s32 $0x300;
	s9 =	simm.s32 $0x280;
	s17 =	sadd.s32 $0xFFFFFFFF, s17;
	v22 =	vperm.xlane v15, v1;
	v27 =	vsel vm7, v27, v29;
	v29 =	vperm.xlane v21, v18  }
.LBB2_1:
0x2d: {  	p0 =	sne.s32 s17, $0x1;
	s17 =	sadd.s32 $0xFFFFFFFF, s17;
	v30 =	vperm.xlane v19, v1;
	vm12 =	veq.s32 v28, $0x3;
	v28 =	vperm.xlane v19, v18  }
0x2e: {  	v31 =	vperm.xlane v0, v5;
	v32 =	vperm.xlane v14, v18;
	v29 =	vnsel vm9, $0x0, v29  }
0x2f: {  	v33 =	vperm.xlane v20, v12;
	v34 =	vperm.xlane v8, v5;
	v28 =	vsel vm11, v28, v29  }
0x30: {  	v29 =	vperm.xlane v3, v12;
	v28 =	vsel vm8, v32, v28;
	v32 =	vperm.xlane v0, v18  }
0x31: {  	vm14 =	veq.s32 v16, $0x0;
	v35 =	vperm.xlane v21, v1;
	v36 =	vperm.xlane v10, v18  }
0x32: {  	vm13 =	veq.s32 v16, $0x1;
	v37 =	vperm.xlane v3, v5;
	v38 =	vperm.xlane v23, v18  }
0x33: {  	v39 =	vperm.xlane v23, v12;
	v23 =	vperm.xlane v23, v1;
	v35 =	vnsel vm10, $0x0, v35  }
0x34: {  	v40 =	vperm.xlane v15, v12;
	v41 =	vperm.xlane v15, v18;
	v38 =	vnsel vm9, $0x0, v38  }
0x35: {  	v23 =	vnsel vm10, $0x0, v23;
	v34 =	vnsel vm6, $0x0, v34;
	v36 =	vsel vm11, v36, v38  }
0x36: {  	v30 =	vsel vm4, v30, v35;
	v35 =	vperm.xlane v21, v5;
	v36 =	vsel vm8, v41, v36  }
0x37: {  	v25 =	vnsel vm10, $0x0, v25;
	v38 =	vperm.xlane v19, v12;
	v41 =	vperm.xlane v20, v18  }
0x38: {  	v39 =	vnsel vm14, $0x0, v39;
	v26 =	vsel vm7, v26, v34;
	v34 =	vperm.xlane v6, v5  }
0x39: {  	vm10 =	veq.s32 v16, $0x3;
	v16 =	vperm.xlane v20, v5;
	v20 =	vperm.xlane v8, v18  }
0x3a: {  	v42 =	vperm.xlane v10, v1;
	v8 =	vperm.xlane v8, v12;
	v35 =	vnsel vm6, $0x0, v35  }
0x3b: {  	v21 =	vperm.xlane v21, v12;
	v6 =	vperm.xlane v6, v18;
	v20 =	vnsel vm9, $0x0, v20  }
0x3c: {  	v43 =	vperm.xlane v14, v12;
	v19 =	vperm.xlane v19, v5;
	v20 =	vsel vm11, v24, v20  }
0x3d: {  	v15 =	vperm.xlane v15, v5;
	v23 =	vsel vm4, v42, v23;
	v6 =	vsel vm8, v6, v20  }
0x3e: {  	v19 =	vsel vm7, v19, v35;
	v20 =	vnsel vm14, $0x0, v21;
	v21 =	vsel vm2, v34, v26  }
0x3f: {  	v10 =	vperm.xlane v10, v12;
	v8 =	vnsel vm14, $0x0, v8;
	v20 =	vsel vm13, v38, v20  }
0x40: {  	v8 =	vsel vm13, v11, v8;
	v11 =	vsel vm2, v15, v27;
	v12 =	vsel vm3, v43, v20  }
0x41: {  	v3 =	vperm.xlane v3, v18;
	v15 =	vperm.xlane v14, v1;
	v11 =	vsel vm12, v16, v11  }
0x42: {  	v10 =	vsel vm13, v10, v39;
	v5 =	vperm.xlane v14, v5;
	v6 =	vsel vm5, v32, v6;
	[tilespmem:$0x2A0] =	vst v11  }
0x43: {  	v10 =	vsel vm3, v40, v10;
	v14 =	vsel vm1, v22, v23;
	v11 =	vsel vm1, v15, v30;
	[tilespmem:$0x330] =	vst v6  }
0x44: {  	v5 =	vsel vm2, v5, v19;
	v6 =	vsel vm3, v17, v8;
	v8 =	vsel vm0, v13, v11  }
0x45: {  	v3 =	vsel vm5, v3, v28;
	v10 =	vsel vm10, v33, v10;
	v6 =	vsel vm10, v9, v6;
	[tilespmem:$0x210] =	vst v8  }
0x46: {  	v5 =	vsel vm12, v37, v5;
	v8 =	vsel vm10, v29, v12;
	[tilespmem:$0x230] =	vst v3;
	v3 =	vsel vm5, v41, v36  }
0x47: {  	v4 =	vsel vm4, v4, v25;
	v0 =	vperm.xlane v0, v1;
	v1 =	vsel vm12, v31, v21;
	[tilespmem:$0x2B0] =	vst v3  }
0x48: {  	v2 =	vsel vm1, v2, v4;
	v3 =	vsel vm0, v7, v14;
	[tilespmem:$0x320] =	vst v1  }
0x49: {  	v0 =	vsel vm0, v0, v2;
	[tilespmem:$0x200] =	vst v8  }
0x4a: {  	[tilespmem:$0x290] =	vst v3  }
0x4b: {  	[tilespmem:$0x310] =	vst v0  }
0x4c: {  	[tilespmem:$0x280] =	vst v10  }
0x4d: {  	[tilespmem:$0x300] =	vst v6  }
0x4e: {  	[tilespmem:$0x220] =	vst v5  }
0x4f: {  	[hbm4b:s6+s2] =	stream.linear.scatter [tilespmem:s8], [sflag:$0x1], $0x40, $0x38;
	[tilespmem:$0x380] =	vst v63  }
0x50: {  	_ =	swait.ge [sflag:s3], $0x40  }
0x51: {  	[sflag:s3] =	ssyncset.done $0x0  }
0x52: {  	[sflag:s3] =	ssyncadd.s32 $0xFFFFFFC0  }
0x53: {  	[hbm4b:s4+s2] =	stream.linear.scatter [tilespmem:s9], [sflag:$0x1], $0x40, $0x38;
	[tilespmem:$0x380] =	vst v63  }
0x54: {  	_ =	swait.ge [sflag:s3], $0x40  }
0x55: {  	[sflag:s3] =	ssyncset.done $0x0  }
0x56: {  	[sflag:s3] =	ssyncadd.s32 $0xFFFFFFC0  }
0x57: {  	[hbm4b:s5+s2] =	stream.linear.scatter [tilespmem:s7], [sflag:$0x1], $0x40, $0x38;
	[tilespmem:$0x380] =	vst v63  }
0x58: {  	_ =	swait.ge [sflag:s3], $0x40  }
0x59: {  	[sflag:s3] =	ssyncset.done $0x0  }
0x5a: {  	[sflag:s3] =	ssyncadd.s32 $0xFFFFFFC0  }
0x5b: {  	[tilespmem:s2], [sflag:$0x1] =	stream.linear.gather [hbm4b:s10+s2], $0x40, $0x38;
	[tilespmem:$0x380] =	vst v63  }
0x5c: {  	_ =	swait.ge [sflag:s3], $0x40  }
0x5d: {  	[sflag:s3] =	ssyncset.done $0x0  }
0x5e: {  	[sflag:s3] =	ssyncadd.s32 $0xFFFFFFC0  }
0x5f: {  	[tilespmem:s12], [sflag:$0x1] =	stream.linear.gather [hbm4b:s11+s2], $0x40, $0x38;
	[tilespmem:$0x380] =	vst v63  }
0x60: {  	_ =	swait.ge [sflag:s3], $0x40  }
0x61: {  	[sflag:s3] =	ssyncset.done $0x0  }
0x62: {  	[sflag:s3] =	ssyncadd.s32 $0xFFFFFFC0  }
0x63: {  	[tilespmem:s14], [sflag:$0x1] =	stream.linear.gather [hbm4b:s13+s2], $0x40, $0x38;
	[tilespmem:$0x380] =	vst v63  }
0x64: {  	_ =	swait.ge [sflag:s3], $0x40  }
0x65: {  	[sflag:s3] =	ssyncset.done $0x0  }
0x66: {  	[sflag:s3] =	ssyncadd.s32 $0xFFFFFFC0  }
0x67: {  	[tilespmem:s16], [sflag:$0x1] =	stream.linear.gather [hbm4b:s15+s2], $0x40, $0x38;
	[tilespmem:$0x380] =	vst v63  }
0x68: {  	_ =	swait.ge [sflag:s3], $0x40  }
0x69: {  	[sflag:s3] =	ssyncset.done $0x0  }
0x6a: {  	[sflag:s3] =	ssyncadd.s32 $0xFFFFFFC0  }
0x6b: {  	v6 =	vld [tilespmem:$0x1A0]  }
0x6c: {  	v8 =	vld [tilespmem:$0x180]  }
0x6d: {  	v1 =	vld [tilespmem:$0x10]  }
0x6e: {  	v2 =	vld [tilespmem:$0x0]  }
0x6f: {  	v7 =	vld [tilespmem:$0x30]  }
0x70: {  	v4 =	vld [tilespmem:$0x20]  }
0x71: {  	v19 =	vld [tilespmem:$0x90]  }
0x72: {  	v3 =	vld [tilespmem:$0xB0];
	v5 =	vshrl.u32 v1, $0x4  }
0x73: {  	v23 =	vld [tilespmem:$0x100];
	v16 =	vshrl.u32 v2, $0x4  }
0x74: {  	v15 =	vld [tilespmem:$0x120];
	v17 =	vshrl.u32 v7, $0x4  }
0x75: {  	v9 =	vld [tilespmem:$0x190];
	v28 =	vshrl.u32 v4, $0x4  }
0x76: {  	v21 =	vld [tilespmem:$0x80];
	vm6 =	veq.s32 v28, $0x0;
	vm2 =	veq.s32 v28, $0x2  }
0x77: {  	vm1 =	veq.s32 v5, $0x2;
	vm0 =	veq.s32 v5, $0x3;
	vm3 =	veq.s32 v16, $0x2;
	v20 =	vld [tilespmem:$0x130]  }
0x78: {  	v1 =	vand.u32 $0xF, v1;
	vm10 =	veq.s32 v5, $0x0;
	vm4 =	veq.s32 v5, $0x1;
	v0 =	vld [tilespmem:$0x1B0]  }
0x79: {  	v12 =	vand.u32 $0xF, v2;
	v2 =	vperm.xlane v6, v1;
	v5 =	vand.u32 $0xF, v4;
	v10 =	vld [tilespmem:$0x110]  }
0x7a: {  	v25 =	vperm.xlane v8, v1;
	vm9 =	veq.s32 v17, $0x0;
	v14 =	vld [tilespmem:$0xA0];
	v11 =	vperm.xlane v9, v12  }
0x7b: {  	v18 =	vand.u32 $0xF, v7;
	v4 =	vperm.xlane v9, v1;
	v26 =	vperm.xlane v9, v5  }
.Ltmp1:
0x7c: {  	vm8 =	veq.s32 v17, $0x2;
	v13 =	vperm.xlane v3, v1;
	v24 =	vperm.xlane v9, v18;
	(pc) =	sbr.rel @p0 .LBB2_1-.Ltmp1, $4  }
0x7d: {  	vm5 =	veq.s32 v17, $0x3;
	v22 =	vperm.xlane v23, v5;
	v7 =	vperm.xlane v20, v1  }
0x7e: {  	vm11 =	veq.s32 v17, $0x1;
	v9 =	vperm.xlane v0, v12;
	v27 =	vperm.xlane v10, v5  }
0x7f: {  	v17 =	vperm.xlane v6, v12;
	vm7 =	veq.s32 v28, $0x1;
	v29 =	vnsel vm6, $0x0, v22  }
0x80: {  	v22 =	vperm.xlane v15, v1;
	v27 =	vsel vm7, v27, v29;
	v29 =	vperm.xlane v21, v18  }
.LBB2_2:
0x81: {  	v30 =	vperm.xlane v19, v1  }
0x82: {  	v50 =	vperm.xlane v19, v18;
	v31 =	vperm.xlane v0, v5  }
0x83: {  	v33 =	vperm.xlane v20, v12;
	v34 =	vperm.xlane v8, v5  }
0x84: {  	v51 =	vperm.xlane v0, v18;
	v35 =	vperm.xlane v21, v1  }
0x85: {  	v36 =	vperm.xlane v10, v18;
	v37 =	vperm.xlane v3, v5  }
0x86: {  	v38 =	vperm.xlane v23, v18;
	v39 =	vperm.xlane v23, v12  }
0x87: {  	v52 =	vperm.xlane v23, v1;
	v40 =	vperm.xlane v15, v12  }
0x88: {  	v41 =	vperm.xlane v15, v18;
	v53 =	vperm.xlane v21, v5  }
0x89: {  	vm12 =	veq.s32 v28, $0x3;
	v54 =	vperm.xlane v19, v12;
	v55 =	vperm.xlane v20, v18  }
0x8a: {  	vm14 =	veq.s32 v16, $0x0;
	v42 =	vperm.xlane v6, v5;
	v56 =	vperm.xlane v20, v5  }
0x8b: {  	vm13 =	veq.s32 v16, $0x1;
	v57 =	vperm.xlane v8, v18;
	v58 =	vperm.xlane v8, v12  }
0x8c: {  	v25 =	vnsel vm10, $0x0, v25;
	v59 =	vperm.xlane v10, v1;
	v60 =	vperm.xlane v21, v12  }
0x8d: {  	vm15 =	veq.s32 v16, $0x3;
	v61 =	vperm.xlane v6, v18;
	v62 =	vperm.xlane v15, v5  }
0x8e: {  	v63 =	vperm.xlane v19, v5;
	v44 =	vperm.xlane v3, v18;
	v29 =	vnsel vm9, $0x0, v29  }
0x8f: {  	v32 =	vperm.xlane v14, v18;
	v43 =	vperm.xlane v14, v12;
	v4 =	vsel vm4, v4, v25  }
0x90: {  	v28 =	vsel vm11, v50, v29;
	v29 =	vperm.xlane v3, v12;
	v35 =	vnsel vm10, $0x0, v35  }
0x91: {  	v38 =	vnsel vm9, $0x0, v38;
	v23 =	vnsel vm10, $0x0, v52;
	v34 =	vnsel vm6, $0x0, v34  }
0x92: {  	v39 =	vnsel vm14, $0x0, v39;
	v15 =	vsel vm2, v62, v27;
	v46 =	vnsel vm14, $0x0, v60  }
0x93: {  	v50 =	vperm.xlane v10, v12;
	v2 =	vsel vm1, v2, v4;
	v28 =	vsel vm8, v32, v28  }
0x94: {  	v36 =	vsel vm11, v36, v38;
	v30 =	vsel vm4, v30, v35;
	v26 =	vsel vm7, v26, v34  }
0x95: {  	v35 =	vnsel vm6, $0x0, v53;
	v34 =	vnsel vm9, $0x0, v57;
	v15 =	vsel vm12, v56, v15  }
0x96: {  	v16 =	vsel vm4, v59, v23;
	v36 =	vsel vm8, v41, v36;
	[tilespmem:$0x2A0] =	vst v15;
	v3 =	vsel vm5, v44, v28  }
0x97: {  	v49 =	vsel vm13, v54, v46;
	v47 =	vsel vm2, v42, v26;
	[tilespmem:$0x230] =	vst v3;
	v53 =	vsel vm5, v55, v36  }
0x98: {  	v57 =	vperm.xlane v0, v1;
	v52 =	vsel vm3, v43, v49;
	v55 =	vsel vm12, v31, v47;
	[tilespmem:$0x2B0] =	vst v53  }
0x99: {  	v59 =	vperm.xlane v14, v5;
	v54 =	vsel vm1, v22, v16;
	v56 =	vsel vm15, v29, v52;
	[tilespmem:$0x320] =	vst v55  }
0x9a: {  	v24 =	vsel vm11, v24, v34;
	v34 =	vperm.xlane v14, v1;
	v7 =	vsel vm0, v7, v54;
	[tilespmem:$0x200] =	vst v56  }
0x9b: {  	v60 =	vsel vm7, v63, v35;
	v6 =	vsel vm8, v61, v24;
	v0 =	vsel vm0, v57, v2;
	[tilespmem:$0x290] =	vst v7  }
0x9c: {  	v62 =	vsel vm2, v59, v60;
	v6 =	vsel vm5, v51, v6;
	v45 =	vsel vm1, v34, v30;
	[tilespmem:$0x310] =	vst v0  }
0x9d: {  	v51 =	vnsel vm14, $0x0, v58;
	v58 =	vsel vm13, v50, v39;
	v0 =	vsel vm12, v37, v62;
	[tilespmem:$0x330] =	vst v6  }
0x9e: {  	v48 =	vsel vm0, v13, v45;
	v6 =	vsel vm13, v11, v51;
	v1 =	vsel vm3, v40, v58;
	[tilespmem:$0x220] =	vst v0  }
0x9f: {  	[tilespmem:$0x210] =	vst v48;
	v61 =	vsel vm3, v17, v6;
	v1 =	vsel vm15, v33, v1  }
0xa0: {  	v63 =	vsel vm15, v9, v61;
	[tilespmem:$0x280] =	vst v1  }
0xa1: {  	[tilespmem:$0x300] =	vst v63  }
0xa2: {  	[hbm4b:s6+s2] =	stream.linear.scatter [tilespmem:s8], [sflag:$0x1], $0x40, $0x38;
	[tilespmem:$0x380] =	vst v63  }
0xa3: {  	_ =	swait.ge [sflag:s3], $0x40  }
0xa4: {  	[sflag:s3] =	ssyncset.done $0x0  }
0xa5: {  	[sflag:s3] =	ssyncadd.s32 $0xFFFFFFC0  }
0xa6: {  	[hbm4b:s4+s2] =	stream.linear.scatter [tilespmem:s9], [sflag:$0x1], $0x40, $0x38;
	[tilespmem:$0x380] =	vst v63  }
0xa7: {  	_ =	swait.ge [sflag:s3], $0x40  }
0xa8: {  	[sflag:s3] =	ssyncset.done $0x0  }
0xa9: {  	[sflag:s3] =	ssyncadd.s32 $0xFFFFFFC0  }
0xaa: {  	[hbm4b:s5+s2] =	stream.linear.scatter [tilespmem:s7], [sflag:$0x1], $0x40, $0x38;
	[tilespmem:$0x380] =	vst v63  }
0xab: {  	_ =	swait.ge [sflag:s3], $0x40  }
0xac: {  	[sflag:s3] =	ssyncset.done $0x0  }
0xad: {  	[sflag:s3] =	ssyncadd.s32 $0xFFFFFFC0  }
0xae: {  	_ =	sfence.sel $0x180000  }
0xaf: {  	[bflag:$0x0] =	sbarrier.arrive $0xFFFF  }
0xb0: {  	p0 =	sne.s32 s0, $0x0;
	_ =	strace $0x90000047  }
0xb1: {  	s0 =	sadd.s32 @!p0 $0x100000, s1;
	[bflag:$0x2] =	sbarrier.arrive $0xFFFF  }
0xb2: {  	[sflag:s0] =	ssyncadd.tile.s32 @!p0 $0x1;
	_ =	shalt  }
.Lfunc_end2:
_tile_overlayer_lowered:
.L_overlay_start_2:
0xb3: {  	(tag) =	ssettag $0x2  }
0xb4: {  	s0 =	rddreg [dreg:$0x0];
	s2 =	stileid.u32  }
0xb5: {  	s1 =	rddreg [dreg:$0x1];
	p0 =	sne.s32 s2, $0x0  }
0xb6: {  	s3 =	rddreg [dreg:$0x2];
	[bflag:$0x3] =	sbarrier.arrive $0xFFFF;
	s2 =	simm.s32 @!p0 $0x1C01  }
0xb7: {  	[timem:s3], [sflag:s2] =	dma.local @!p0 [hbm:s0], s1  }
0xb8: {  	s0 =	simm.s32 @!p0 $0x1  }
0xb9: {  	_ =	swait.ge @!p0 [sflag:s0], s1  }
0xba: {  	s1 =	ssub.s32 @!p0 $0x0, s1;
	[sflag:s0] =	ssyncset.done @!p0 $0x0  }
0xbb: {  	[sflag:s0] =	ssyncadd.s32 @!p0 s1  }
0xbc: {  	[bflag:$0x3] =	sbarrier.arrive $0xFFFF  }
0xbd: {  	_ =	shalt  }

</sc_bundles>
